<compile_context>
chip_gen: v7x
topology: tpu7x:2x2x1
jax: 0.10.2.dev20260603
libtpu: 0.0.44.dev20260713+nightly
codegen_flags: <defaults>
</compile_context>

<pallas_src>
import functools

import jax
import jax.numpy as jnp
from jax import lax
from jax.experimental import pallas as pl
from jax.experimental.pallas import tpu as pltpu
from jax.experimental.pallas import tpu_sc as plsc

N = 10000
E = 320000
D = 128
NC = 2
NS = 16
NW = NC * NS
EW = E // NW
GSZ = 80
NG = EW // GSZ
RPT = 624
TAIL = N - RPT * NS
BLK = 1000
GRID = N // BLK

_f32 = jnp.float32
_CONTRACT_11 = (((1,), (1,)), ((), ()))



def _lin2_body(x_ref, wl_ref, wr_ref, b_ref, y_ref, r_ref):
    x = x_ref[...]
    y_ref[...] = lax.dot_general(x, wl_ref[...], _CONTRACT_11,
                                 preferred_element_type=_f32)
    r_ref[...] = lax.dot_general(x, wr_ref[...], _CONTRACT_11,
                                 preferred_element_type=_f32) + b_ref[...]


def _lin2(x, wl, wr, b):
    return pl.pallas_call(
        _lin2_body,
        grid=(GRID,),
        in_specs=[
            pl.BlockSpec((BLK, D), lambda i: (i, 0)),
            pl.BlockSpec((D, D), lambda i: (0, 0)),
            pl.BlockSpec((D, D), lambda i: (0, 0)),
            pl.BlockSpec((1, D), lambda i: (0, 0)),
        ],
        out_specs=[pl.BlockSpec((BLK, D), lambda i: (i, 0))] * 2,
        out_shape=[jax.ShapeDtypeStruct((N, D), _f32)] * 2,
    )(x, wl, wr, b.reshape(1, D))


def _sage_next_body(s_ref, dg_ref, r_ref, wl_ref, wr_ref, b_ref, z_ref, r2_ref):
    deg = dg_ref[0, 0, 0, :] + dg_ref[1, 0, 0, :]
    rec = 1.0 / jnp.maximum(deg, 1.0)
    agg = (s_ref[0] + s_ref[1]) * rec[:, None]
    h = jnp.maximum(agg + r_ref[...], 0.0)
    z_ref[...] = lax.dot_general(h, wl_ref[...], _CONTRACT_11,
                                 preferred_element_type=_f32)
    r2_ref[...] = lax.dot_general(h, wr_ref[...], _CONTRACT_11,
                                  preferred_element_type=_f32) + b_ref[...]


def _sage_next(ssum, deg3, r, wl, wr, b):
    return pl.pallas_call(
        _sage_next_body,
        grid=(GRID,),
        in_specs=[
            pl.BlockSpec((NC, BLK, D), lambda i: (0, i, 0)),
            pl.BlockSpec((NC, 1, 1, BLK), lambda i: (0, i, 0, 0)),
            pl.BlockSpec((BLK, D), lambda i: (i, 0)),
            pl.BlockSpec((D, D), lambda i: (0, 0)),
            pl.BlockSpec((D, D), lambda i: (0, 0)),
            pl.BlockSpec((1, D), lambda i: (0, 0)),
        ],
        out_specs=[pl.BlockSpec((BLK, D), lambda i: (i, 0))] * 2,
        out_shape=[jax.ShapeDtypeStruct((N, D), _f32)] * 2,
    )(ssum, deg3, r, wl, wr, b.reshape(1, D))


def _wc_body(wg_ref, as_ref, ad_ref, wc_ref):
    wg = wg_ref[...]
    vs = jnp.dot(as_ref[...], wg, preferred_element_type=_f32)
    vd = jnp.dot(ad_ref[...], wg, preferred_element_type=_f32)
    wc_ref[...] = jnp.concatenate(
        [wg, vs, vd, jnp.zeros((4, D), _f32)], axis=0)


def _wc(wg, att_s, att_d):
    return pl.pallas_call(
        _wc_body,
        out_shape=jax.ShapeDtypeStruct((8, D), _f32),
    )(wg, att_s, att_d)


def _gat_prep_body(s_ref, dg_ref, r_ref, wc_ref, tab_ref, ms_ref, md_ref):
    i = pl.program_id(0)
    deg = dg_ref[0, 0, 0, :] + dg_ref[1, 0, 0, :]
    rec = 1.0 / jnp.maximum(deg, 1.0)
    agg = (s_ref[0] + s_ref[1]) * rec[:, None]
    h = jnp.maximum(agg + r_ref[...], 0.0)
    proj = lax.dot_general(h, wc_ref[...], _CONTRACT_11,
                           preferred_element_type=_f32)
    a_s = proj[:, 2]
    a_d = proj[:, 3]
    tab_ref[0, 0, 0, :] = a_s
    tab_ref[1, 0, 0, :] = a_d
    tab_ref[2, 0, 0, :] = proj[:, 0]
    tab_ref[3, 0, 0, :] = proj[:, 1]
    bs = jnp.max(a_s)
    bd = jnp.max(a_d)

    @pl.when(i == 0)
    def _():
        ms_ref[0, 0] = bs
        md_ref[0, 0] = bd

    @pl.when(i > 0)
    def _():
        ms_ref[0, 0] = jnp.maximum(ms_ref[0, 0], bs)
        md_ref[0, 0] = jnp.maximum(md_ref[0, 0], bd)


def _gat_prep(ssum, deg3, r, wc):
    return pl.pallas_call(
        _gat_prep_body,
        grid=(GRID,),
        in_specs=[
            pl.BlockSpec((NC, BLK, D), lambda i: (0, i, 0)),
            pl.BlockSpec((NC, 1, 1, BLK), lambda i: (0, i, 0, 0)),
            pl.BlockSpec((BLK, D), lambda i: (i, 0)),
            pl.BlockSpec((8, D), lambda i: (0, 0)),
        ],
        out_specs=[
            pl.BlockSpec((4, 1, 1, BLK), lambda i: (0, i, 0, 0)),
            pl.BlockSpec(memory_space=pltpu.SMEM),
            pl.BlockSpec(memory_space=pltpu.SMEM),
        ],
        out_shape=[
            jax.ShapeDtypeStruct((4, GRID, 1, BLK), _f32),
            jax.ShapeDtypeStruct((1, 1), _f32),
            jax.ShapeDtypeStruct((1, 1), _f32),
        ],
    )(ssum, deg3, r, wc)


def _final_body(gd_ref, g0_ref, g1_ref, bg_ref, o_ref):
    d = gd_ref[0, 0, :] + gd_ref[1, 0, :]
    n0 = g0_ref[0, 0, :] + g0_ref[1, 0, :]
    n1 = g1_ref[0, 0, :] + g1_ref[1, 0, :]
    rec = 1.0 / (d + 1e-16)
    a0 = n0 * rec + bg_ref[0, 0]
    a1 = n1 * rec + bg_ref[0, 1]
    m = jnp.maximum(a0, a1)
    lse = m + jnp.log(jnp.exp(a0 - m) + jnp.exp(a1 - m))
    o_ref[0, :] = a0 - lse
    o_ref[1, :] = a1 - lse


def _final(gd, gn0, gn1, bg):
    return pl.pallas_call(
        _final_body,
        out_shape=jax.ShapeDtypeStruct((2, N), _f32),
    )(gd, gn0, gn1, bg.reshape(1, 2))



_MESH = plsc.VectorSubcoreMesh(
    core_axis_name="c", subcore_axis_name="s", num_cores=NC, num_subcores=NS)


def _make_seg_kernel(with_deg):

    @functools.partial(
        pl.kernel,
        out_type=(
            jax.ShapeDtypeStruct((NC, N, D), _f32),
            jax.ShapeDtypeStruct((NC, 1, N), _f32),
        ),
        mesh=_MESH,
        compiler_params=pltpu.CompilerParams(needs_layout_passes=False),
        scratch_types=[
            pltpu.VMEM((NG, GSZ), jnp.int32),
            pltpu.VMEM((NG, GSZ), jnp.int32),
            pltpu.VMEM((GSZ, D), _f32),
            pltpu.VMEM((GSZ,), _f32),
            pltpu.VMEM_SHARED((N, D), _f32),
            pltpu.VMEM_SHARED((N,), _f32),
            pltpu.SemaphoreType.DMA,
        ],
    )
    def seg_kernel(tab, src3, dst3, zz, zd, out, deg3,
                   srcv, dstv, rbuf, ones_v, acc, dacc, sem):
        c = lax.axis_index("c")
        s = lax.axis_index("s")
        w = s * NC + c
        pltpu.sync_copy(zz.at[pl.ds(s * RPT, RPT)], acc.at[pl.ds(s * RPT, RPT)])

        @pl.when(s == 0)
        def _():
            pltpu.sync_copy(zz.at[pl.ds(NS * RPT, TAIL)],
                            acc.at[pl.ds(NS * RPT, TAIL)])
            if with_deg:
                pltpu.sync_copy(zd, dacc)

        if with_deg:
            for kk in range(GSZ // 16):
                ones_v[pl.ds(kk * 16, 16)] = jnp.full((16,), 1.0, _f32)
        pltpu.sync_copy(src3.at[w], srcv)
        pltpu.sync_copy(dst3.at[w], dstv)
        plsc.subcore_barrier()

        def body(g, carry):
            pltpu.async_copy(tab.at[srcv.at[g]], rbuf, sem).wait()
            pltpu.sync_copy(rbuf, acc.at[dstv.at[g]], add=True)
            if with_deg:
                pltpu.sync_copy(ones_v, dacc.at[dstv.at[g]], add=True)
            return carry

        lax.fori_loop(0, NG, body, 0)
        plsc.subcore_barrier()
        pltpu.sync_copy(acc.at[pl.ds(s * RPT, RPT)],
                        out.at[c, pl.ds(s * RPT, RPT)])

        @pl.when(s == 0)
        def _():
            pltpu.sync_copy(acc.at[pl.ds(NS * RPT, TAIL)],
                            out.at[c, pl.ds(NS * RPT, TAIL)])
            if with_deg:
                pltpu.sync_copy(dacc, deg3.at[c, 0])

    return seg_kernel


_seg_deg = _make_seg_kernel(True)
_seg_nodeg = _make_seg_kernel(False)


@functools.partial(
    pl.kernel,
    out_type=(
        jax.ShapeDtypeStruct((NC, 1, N), _f32),
        jax.ShapeDtypeStruct((NC, 1, N), _f32),
        jax.ShapeDtypeStruct((NC, 1, N), _f32),
    ),
    mesh=_MESH,
    compiler_params=pltpu.CompilerParams(needs_layout_passes=False),
    scratch_types=[
        pltpu.VMEM((N,), _f32),
        pltpu.VMEM((N,), _f32),
        pltpu.VMEM((N,), _f32),
        pltpu.VMEM((N,), _f32),
        pltpu.VMEM((NG, GSZ), jnp.int32),
        pltpu.VMEM((NG, GSZ), jnp.int32),
        pltpu.VMEM((GSZ,), _f32),
        pltpu.VMEM((GSZ,), _f32),
        pltpu.VMEM((GSZ,), _f32),
        pltpu.VMEM((16,), _f32),
        pltpu.VMEM_SHARED((N,), _f32),
        pltpu.VMEM_SHARED((N,), _f32),
        pltpu.VMEM_SHARED((N,), _f32),
    ],
)
def _gat_edges(tab4, src3, dst3, zd, shift, god, gon0, gon1,
               ast, adt, x0t, x1t, srcv, dstv, exs, w0s, w1s, shv_v,
               dsp, n0sp, n1sp):
    c = lax.axis_index("c")
    s = lax.axis_index("s")
    w = s * NC + c

    @pl.when(s == 0)
    def _():
        pltpu.sync_copy(zd, dsp)
        pltpu.sync_copy(zd, n0sp)
        pltpu.sync_copy(zd, n1sp)

    pltpu.sync_copy(tab4.at[0, 0], ast)
    pltpu.sync_copy(tab4.at[1, 0], adt)
    pltpu.sync_copy(tab4.at[2, 0], x0t)
    pltpu.sync_copy(tab4.at[3, 0], x1t)
    pltpu.sync_copy(shift, shv_v)
    pltpu.sync_copy(src3.at[w], srcv)
    pltpu.sync_copy(dst3.at[w], dstv)
    plsc.subcore_barrier()

    shv = shv_v[...]

    def body(g, carry):
        for kk in range(GSZ // 16):
            sv = srcv[g, pl.ds(kk * 16, 16)]
            dv = dstv[g, pl.ds(kk * 16, 16)]
            asv = plsc.load_gather(ast, [sv])
            adv = plsc.load_gather(adt, [dv])
            e = asv + adv
            e = jnp.maximum(e, 0.2 * e) - shv
            ex = jnp.exp(e)
            x0 = plsc.load_gather(x0t, [sv])
            x1 = plsc.load_gather(x1t, [sv])
            exs[pl.ds(kk * 16, 16)] = ex
            w0s[pl.ds(kk * 16, 16)] = ex * x0
            w1s[pl.ds(kk * 16, 16)] = ex * x1
        pltpu.sync_copy(exs, dsp.at[dstv.at[g]], add=True)
        pltpu.sync_copy(w0s, n0sp.at[dstv.at[g]], add=True)
        pltpu.sync_copy(w1s, n1sp.at[dstv.at[g]], add=True)
        return carry

    lax.fori_loop(0, NG, body, 0)
    plsc.subcore_barrier()

    @pl.when(s == 0)
    def _():
        pltpu.sync_copy(dsp, god.at[c, 0])
        pltpu.sync_copy(n0sp, gon0.at[c, 0])
        pltpu.sync_copy(n1sp, gon1.at[c, 0])



def kernel(x, edge_index, Wl1, Wr1, b1, Wl2, Wr2, b2, Wg, att_src, att_dst, bg):
    src3 = edge_index[0].reshape(NW, NG, GSZ)
    dst3 = edge_index[1].reshape(NW, NG, GSZ)
    zz = jnp.zeros((N, D), _f32)
    zd = jnp.zeros((N,), _f32)

    y1, r1 = _lin2(x, Wl1, Wr1, b1)
    sum1, deg3 = _seg_deg(y1, src3, dst3, zz, zd)

    deg4 = deg3.reshape(NC, GRID, 1, BLK)
    z2, r2 = _sage_next(sum1, deg4, r1, Wl2, Wr2, b2)
    sum2, _ = _seg_nodeg(z2, src3, dst3, zz, zd)

    wc = _wc(Wg, att_src.reshape(1, 2), att_dst.reshape(1, 2))
    tabg, ms, md = _gat_prep(sum2, deg4, r2, wc)
    tab4 = tabg.reshape(4, 1, N)
    m = (ms + md).reshape(())
    shift16 = jnp.broadcast_to(jnp.maximum(m, 0.2 * m), (16,)).astype(_f32)

    god, gon0, gon1 = _gat_edges(tab4, src3, dst3, zd, shift16)

    out2 = _final(god, gon0, gon1, bg)
    return out2.T

# --- scband reference (transcript-rebuilt; emitter-appended) ---
"""Pipeline reference for scband-fraud-gnn-2508260901300 (READ-ONLY COPY).

The authoritative reference and input builder live on the scoring server;
editing this copy changes nothing except your own understanding.
"""

import jax, jax.numpy as jnp
import numpy as np

N = 10000
E = 320000
D_IN = 128
D_H = 128
D_OUT = 2


def setup_inputs(seed: int = 0) -> dict:
    key = jax.random.key(seed)
    ks = jax.random.split(key, 13)
    s_in = 1.0 / np.sqrt(D_IN)
    s_h = 1.0 / np.sqrt(D_H)
    return {
        "x": jax.random.normal(ks[0], (N, D_IN), dtype=jnp.float32),
        "edge_index": jax.random.randint(ks[1], (2, E), 0, N, dtype=jnp.int32),
        "Wl1": jax.random.normal(ks[2], (D_H, D_IN), dtype=jnp.float32) * s_in,
        "Wr1": jax.random.normal(ks[3], (D_H, D_IN), dtype=jnp.float32) * s_in,
        "b1": jnp.zeros((D_H,), dtype=jnp.float32),
        "Wl2": jax.random.normal(ks[4], (D_H, D_H), dtype=jnp.float32) * s_h,
        "Wr2": jax.random.normal(ks[5], (D_H, D_H), dtype=jnp.float32) * s_h,
        "b2": jnp.zeros((D_H,), dtype=jnp.float32),
        "Wg": jax.random.normal(ks[6], (D_OUT, D_H), dtype=jnp.float32) * s_h,
        "att_src": jax.random.normal(ks[7], (D_OUT,), dtype=jnp.float32),
        "att_dst": jax.random.normal(ks[8], (D_OUT,), dtype=jnp.float32),
        "bg": jnp.zeros((D_OUT,), dtype=jnp.float32),
    }


def _sage_conv(x, src, dst, Wl, Wr, b):
    # PyG SAGEConv with mean aggregation: out = lin_l(mean_j x_j) + lin_r(x_i)
    msg = x[src]
    deg = jax.ops.segment_sum(jnp.ones((src.shape[0],), x.dtype), dst, num_segments=N)
    agg = jax.ops.segment_sum(msg, dst, num_segments=N) / jnp.maximum(deg, 1.0)[:, None]
    return agg @ Wl.T + x @ Wr.T + b


def _gat_conv(x, src, dst, W, att_s, att_d, b):
    # PyG GATConv, heads=1
    xp = x @ W.T
    a_s = (xp * att_s).sum(axis=-1)
    a_d = (xp * att_d).sum(axis=-1)
    e = jax.nn.leaky_relu(a_s[src] + a_d[dst], negative_slope=0.2)
    e_max = jax.ops.segment_max(e, dst, num_segments=N)
    e_max = jnp.where(jnp.isfinite(e_max), e_max, 0.0)
    ex = jnp.exp(e - jax.lax.stop_gradient(e_max)[dst])
    denom = jax.ops.segment_sum(ex, dst, num_segments=N)
    alpha = ex / (denom[dst] + 1e-16)
    out = jax.ops.segment_sum(alpha[:, None] * xp[src], dst, num_segments=N)
    return out + b


def reference(x, edge_index, Wl1, Wr1, b1, Wl2, Wr2, b2, Wg, att_src, att_dst, bg):
    src, dst = edge_index[0], edge_index[1]
    h = _sage_conv(x, src, dst, Wl1, Wr1, b1)
    h = jax.nn.relu(h)  # GraphSAGE inter-layer activation
    h = _sage_conv(h, src, dst, Wl2, Wr2, b2)
    h = jax.nn.relu(h)  # F.relu in FraudGNN.forward
    g = _gat_conv(h, src, dst, Wg, att_src, att_dst, bg)
    return jax.nn.log_softmax(g, axis=1)

if __name__ == "__main__":
    import jax
    _d = setup_inputs()
    print(jax.jit(kernel)(*tuple(_d.values())))

</pallas_src>

<mosaic_0001>
#map = affine_map<(d0, d1) -> (0, 0)>
#map1 = affine_map<(d0, d1) -> (0, 0, 0)>
#map2 = affine_map<(d0, d1) -> (0)>
module attributes {stable_mosaic.version = 14 : i64} {
  func.func @seg_kernel(%arg0: i32, %arg1: i32, %arg2: memref<10000x128xf32, #tpu.memory_space<hbm>>, %arg3: memref<32x125x80xi32, #tpu.memory_space<hbm>>, %arg4: memref<32x125x80xi32, #tpu.memory_space<hbm>>, %arg5: memref<10000x128xf32, #tpu.memory_space<hbm>>, %arg6: memref<10000xf32, #tpu.memory_space<hbm>>, %arg7: memref<2x10000x128xf32, #tpu.memory_space<hbm>>, %arg8: memref<2x1x10000xf32, #tpu.memory_space<hbm>>, %arg9: memref<125x80xi32, #tpu.memory_space<vmem>>, %arg10: memref<125x80xi32, #tpu.memory_space<vmem>>, %arg11: memref<80x128xf32, #tpu.memory_space<vmem>>, %arg12: memref<80xf32, #tpu.memory_space<vmem>>, %arg13: memref<10000x128xf32, #tpu.memory_space<vmem_shared>>, %arg14: memref<10000xf32, #tpu.memory_space<vmem_shared>>, %arg15: memref<!tpu.dma_semaphore, #tpu.memory_space<semaphore_mem>>) attributes {dimension_semantics = [#tpu.dimension_semantics<core_parallel>, #tpu.dimension_semantics<subcore_parallel>], iteration_bounds = array<i64: 2, 16>, scalar_prefetch = 0 : i64, scratch_operands = 7 : i64, tpu.core_type = #tpu.core_type<sc_vector_subcore>, window_params = [{transform_indices = #map}, {transform_indices = #map1}, {transform_indices = #map1}, {transform_indices = #map}, {transform_indices = #map2}, {transform_indices = #map1}, {transform_indices = #map1}]} {
    %mul3A = arith.constant 2 : i32
    %mul3A_0 = arith.muli %arg1, %mul3A : i32
    %add3A = arith.addi %mul3A_0, %arg0 : i32
    %mul3A_1 = arith.constant 624 : i32
    %mul3A_2 = arith.muli %arg1, %mul3A_1 : i32
    %mul3A_3 = arith.constant 624 : i32
    %mul3A_4 = arith.muli %arg1, %mul3A_3 : i32
    "tpu.region"() ({
      %run_scoped3A = tpu.sem_alloc : memref<!tpu.dma_semaphore, #tpu.memory_space<semaphore_mem>>
      %dma_start3A = arith.constant 0 : i32
      %dma_start3A_40 = tpu.memref_slice %arg13[%mul3A_4, %dma_start3A] : memref<10000x128xf32, #tpu.memory_space<vmem_shared>> -> memref<624x128xf32, #tpu.memory_space<vmem_shared>>
      %dma_start3A_41 = arith.constant 0 : i32
      %dma_start3A_42 = tpu.memref_slice %arg5[%mul3A_2, %dma_start3A_41] : memref<10000x128xf32, #tpu.memory_space<hbm>> -> memref<624x128xf32, #tpu.memory_space<hbm>>
      tpu.enqueue_dma source(%dma_start3A_42 : memref<624x128xf32, #tpu.memory_space<hbm>>) target(%dma_start3A_40 : memref<624x128xf32, #tpu.memory_space<vmem_shared>>) target_semaphore(%run_scoped3A : memref<!tpu.dma_semaphore, #tpu.memory_space<semaphore_mem>>)
      %dma_wait3A = arith.constant 0 : i32
      %dma_wait3A_43 = tpu.memref_slice %arg13[%mul3A_4, %dma_wait3A] : memref<10000x128xf32, #tpu.memory_space<vmem_shared>> -> memref<624x128xf32, #tpu.memory_space<vmem_shared>>
      %dma_wait3A_44 = arith.constant 0 : i32
      %dma_wait3A_45 = tpu.memref_slice %arg5[%mul3A_2, %dma_wait3A_44] : memref<10000x128xf32, #tpu.memory_space<hbm>> -> memref<624x128xf32, #tpu.memory_space<hbm>>
      tpu.wait_dma2 semaphore(%run_scoped3A : memref<!tpu.dma_semaphore, #tpu.memory_space<semaphore_mem>>) src(%dma_wait3A_45 : memref<624x128xf32, #tpu.memory_space<hbm>>) dst(%dma_wait3A_43 : memref<624x128xf32, #tpu.memory_space<vmem_shared>>)
      tpu.yield
    }) : () -> ()
    %eq3A = arith.constant 0 : i32
    %eq3A_5 = arith.cmpi eq, %arg1, %eq3A : i32
    %convert_element_type3A = arith.extui %eq3A_5 : i1 to i32
    %cond3A = arith.constant 0 : i32
    %cond3A_6 = arith.cmpi ne, %convert_element_type3A, %cond3A : i32
    scf.if %cond3A_6 {
      "tpu.region"() ({
        %run_scoped3A = tpu.sem_alloc : memref<!tpu.dma_semaphore, #tpu.memory_space<semaphore_mem>>
        %dma_start3A = arith.constant 9984 : i32
        %dma_start3A_40 = arith.constant 0 : i32
        %dma_start3A_41 = tpu.memref_slice %arg13[%dma_start3A, %dma_start3A_40] : memref<10000x128xf32, #tpu.memory_space<vmem_shared>> -> memref<16x128xf32, #tpu.memory_space<vmem_shared>>
        %dma_start3A_42 = arith.constant 9984 : i32
        %dma_start3A_43 = arith.constant 0 : i32
        %dma_start3A_44 = tpu.memref_slice %arg5[%dma_start3A_42, %dma_start3A_43] : memref<10000x128xf32, #tpu.memory_space<hbm>> -> memref<16x128xf32, #tpu.memory_space<hbm>>
        tpu.enqueue_dma source(%dma_start3A_44 : memref<16x128xf32, #tpu.memory_space<hbm>>) target(%dma_start3A_41 : memref<16x128xf32, #tpu.memory_space<vmem_shared>>) target_semaphore(%run_scoped3A : memref<!tpu.dma_semaphore, #tpu.memory_space<semaphore_mem>>)
        %dma_wait3A = arith.constant 9984 : i32
        %dma_wait3A_45 = arith.constant 0 : i32
        %dma_wait3A_46 = tpu.memref_slice %arg13[%dma_wait3A, %dma_wait3A_45] : memref<10000x128xf32, #tpu.memory_space<vmem_shared>> -> memref<16x128xf32, #tpu.memory_space<vmem_shared>>
        %dma_wait3A_47 = arith.constant 9984 : i32
        %dma_wait3A_48 = arith.constant 0 : i32
        %dma_wait3A_49 = tpu.memref_slice %arg5[%dma_wait3A_47, %dma_wait3A_48] : memref<10000x128xf32, #tpu.memory_space<hbm>> -> memref<16x128xf32, #tpu.memory_space<hbm>>
        tpu.wait_dma2 semaphore(%run_scoped3A : memref<!tpu.dma_semaphore, #tpu.memory_space<semaphore_mem>>) src(%dma_wait3A_49 : memref<16x128xf32, #tpu.memory_space<hbm>>) dst(%dma_wait3A_46 : memref<16x128xf32, #tpu.memory_space<vmem_shared>>)
        tpu.yield
      }) : () -> ()
      "tpu.region"() ({
        %run_scoped3A = tpu.sem_alloc : memref<!tpu.dma_semaphore, #tpu.memory_space<semaphore_mem>>
        tpu.enqueue_dma source(%arg6 : memref<10000xf32, #tpu.memory_space<hbm>>) target(%arg14 : memref<10000xf32, #tpu.memory_space<vmem_shared>>) target_semaphore(%run_scoped3A : memref<!tpu.dma_semaphore, #tpu.memory_space<semaphore_mem>>)
        tpu.wait_dma2 semaphore(%run_scoped3A : memref<!tpu.dma_semaphore, #tpu.memory_space<semaphore_mem>>) src(%arg6 : memref<10000xf32, #tpu.memory_space<hbm>>) dst(%arg14 : memref<10000xf32, #tpu.memory_space<vmem_shared>>)
        tpu.yield
      }) : () -> ()
    } else {
    }
    %broadcast_in_dim3A = arith.constant 1.000000e+00 : f32
    %broadcast_in_dim3A_7 = vector.broadcast %broadcast_in_dim3A : f32 to vector<16xf32>
    %swap3A = arith.constant 0 : index
    %swap3A_8 = tpu.vector_load %arg12[%swap3A] {strides = array<i32>} : memref<80xf32, #tpu.memory_space<vmem>>, vector<16xf32>,
    tpu.vector_store %arg12[%swap3A], %broadcast_in_dim3A_7 {strides = array<i32>} : memref<80xf32, #tpu.memory_space<vmem>>, vector<16xf32>,
    %broadcast_in_dim3A_9 = arith.constant 1.000000e+00 : f32
    %broadcast_in_dim3A_10 = vector.broadcast %broadcast_in_dim3A_9 : f32 to vector<16xf32>
    %swap3A_11 = arith.constant 16 : index
    %swap3A_12 = tpu.vector_load %arg12[%swap3A_11] {strides = array<i32>} : memref<80xf32, #tpu.memory_space<vmem>>, vector<16xf32>,
    tpu.vector_store %arg12[%swap3A_11], %broadcast_in_dim3A_10 {strides = array<i32>} : memref<80xf32, #tpu.memory_space<vmem>>, vector<16xf32>,
    %broadcast_in_dim3A_13 = arith.constant 1.000000e+00 : f32
    %broadcast_in_dim3A_14 = vector.broadcast %broadcast_in_dim3A_13 : f32 to vector<16xf32>
    %swap3A_15 = arith.constant 32 : index
    %swap3A_16 = tpu.vector_load %arg12[%swap3A_15] {strides = array<i32>} : memref<80xf32, #tpu.memory_space<vmem>>, vector<16xf32>,
    tpu.vector_store %arg12[%swap3A_15], %broadcast_in_dim3A_14 {strides = array<i32>} : memref<80xf32, #tpu.memory_space<vmem>>, vector<16xf32>,
    %broadcast_in_dim3A_17 = arith.constant 1.000000e+00 : f32
    %broadcast_in_dim3A_18 = vector.broadcast %broadcast_in_dim3A_17 : f32 to vector<16xf32>
    %swap3A_19 = arith.constant 48 : index
    %swap3A_20 = tpu.vector_load %arg12[%swap3A_19] {strides = array<i32>} : memref<80xf32, #tpu.memory_space<vmem>>, vector<16xf32>,
    tpu.vector_store %arg12[%swap3A_19], %broadcast_in_dim3A_18 {strides = array<i32>} : memref<80xf32, #tpu.memory_space<vmem>>, vector<16xf32>,
    %broadcast_in_dim3A_21 = arith.constant 1.000000e+00 : f32
    %broadcast_in_dim3A_22 = vector.broadcast %broadcast_in_dim3A_21 : f32 to vector<16xf32>
    %swap3A_23 = arith.constant 64 : index
    %swap3A_24 = tpu.vector_load %arg12[%swap3A_23] {strides = array<i32>} : memref<80xf32, #tpu.memory_space<vmem>>, vector<16xf32>,
    tpu.vector_store %arg12[%swap3A_23], %broadcast_in_dim3A_22 {strides = array<i32>} : memref<80xf32, #tpu.memory_space<vmem>>, vector<16xf32>,
    "tpu.region"() ({
      %run_scoped3A = tpu.sem_alloc : memref<!tpu.dma_semaphore, #tpu.memory_space<semaphore_mem>>
      %dma_start3A = arith.constant 0 : i32
      %dma_start3A_40 = arith.constant 0 : i32
      %dma_start3A_41 = tpu.memref_slice %arg3[%add3A, %dma_start3A, %dma_start3A_40] : memref<32x125x80xi32, #tpu.memory_space<hbm>> -> memref<1x125x80xi32, #tpu.memory_space<hbm>>
      %dma_start3A_42 = tpu.memref_squeeze %dma_start3A_41 : memref<1x125x80xi32, #tpu.memory_space<hbm>> -> memref<125x80xi32, #tpu.memory_space<hbm>>
      %dma_start3A_43 = arith.constant 0 : i32
      %dma_start3A_44 = arith.constant 0 : i32
      %dma_start3A_45 = tpu.memref_slice %arg3[%add3A, %dma_start3A_43, %dma_start3A_44] : memref<32x125x80xi32, #tpu.memory_space<hbm>> -> memref<1x125x80xi32, #tpu.memory_space<hbm>>
      %dma_start3A_46 = tpu.memref_squeeze %dma_start3A_45 : memref<1x125x80xi32, #tpu.memory_space<hbm>> -> memref<125x80xi32, #tpu.memory_space<hbm>>
      tpu.enqueue_dma source(%dma_start3A_46 : memref<125x80xi32, #tpu.memory_space<hbm>>) target(%arg9 : memref<125x80xi32, #tpu.memory_space<vmem>>) target_semaphore(%run_scoped3A : memref<!tpu.dma_semaphore, #tpu.memory_space<semaphore_mem>>)
      %dma_wait3A = arith.constant 0 : i32
      %dma_wait3A_47 = arith.constant 0 : i32
      %dma_wait3A_48 = tpu.memref_slice %arg3[%add3A, %dma_wait3A, %dma_wait3A_47] : memref<32x125x80xi32, #tpu.memory_space<hbm>> -> memref<1x125x80xi32, #tpu.memory_space<hbm>>
      %dma_wait3A_49 = tpu.memref_squeeze %dma_wait3A_48 : memref<1x125x80xi32, #tpu.memory_space<hbm>> -> memref<125x80xi32, #tpu.memory_space<hbm>>
      %dma_wait3A_50 = arith.constant 0 : i32
      %dma_wait3A_51 = arith.constant 0 : i32
      %dma_wait3A_52 = tpu.memref_slice %arg3[%add3A, %dma_wait3A_50, %dma_wait3A_51] : memref<32x125x80xi32, #tpu.memory_space<hbm>> -> memref<1x125x80xi32, #tpu.memory_space<hbm>>
      %dma_wait3A_53 = tpu.memref_squeeze %dma_wait3A_52 : memref<1x125x80xi32, #tpu.memory_space<hbm>> -> memref<125x80xi32, #tpu.memory_space<hbm>>
      tpu.wait_dma2 semaphore(%run_scoped3A : memref<!tpu.dma_semaphore, #tpu.memory_space<semaphore_mem>>) src(%dma_wait3A_53 : memref<125x80xi32, #tpu.memory_space<hbm>>) dst(%arg9 : memref<125x80xi32, #tpu.memory_space<vmem>>)
      tpu.yield
    }) : () -> ()
    "tpu.region"() ({
      %run_scoped3A = tpu.sem_alloc : memref<!tpu.dma_semaphore, #tpu.memory_space<semaphore_mem>>
      %dma_start3A = arith.constant 0 : i32
      %dma_start3A_40 = arith.constant 0 : i32
      %dma_start3A_41 = tpu.memref_slice %arg4[%add3A, %dma_start3A, %dma_start3A_40] : memref<32x125x80xi32, #tpu.memory_space<hbm>> -> memref<1x125x80xi32, #tpu.memory_space<hbm>>
      %dma_start3A_42 = tpu.memref_squeeze %dma_start3A_41 : memref<1x125x80xi32, #tpu.memory_space<hbm>> -> memref<125x80xi32, #tpu.memory_space<hbm>>
      %dma_start3A_43 = arith.constant 0 : i32
      %dma_start3A_44 = arith.constant 0 : i32
      %dma_start3A_45 = tpu.memref_slice %arg4[%add3A, %dma_start3A_43, %dma_start3A_44] : memref<32x125x80xi32, #tpu.memory_space<hbm>> -> memref<1x125x80xi32, #tpu.memory_space<hbm>>
      %dma_start3A_46 = tpu.memref_squeeze %dma_start3A_45 : memref<1x125x80xi32, #tpu.memory_space<hbm>> -> memref<125x80xi32, #tpu.memory_space<hbm>>
      tpu.enqueue_dma source(%dma_start3A_46 : memref<125x80xi32, #tpu.memory_space<hbm>>) target(%arg10 : memref<125x80xi32, #tpu.memory_space<vmem>>) target_semaphore(%run_scoped3A : memref<!tpu.dma_semaphore, #tpu.memory_space<semaphore_mem>>)
      %dma_wait3A = arith.constant 0 : i32
      %dma_wait3A_47 = arith.constant 0 : i32
      %dma_wait3A_48 = tpu.memref_slice %arg4[%add3A, %dma_wait3A, %dma_wait3A_47] : memref<32x125x80xi32, #tpu.memory_space<hbm>> -> memref<1x125x80xi32, #tpu.memory_space<hbm>>
      %dma_wait3A_49 = tpu.memref_squeeze %dma_wait3A_48 : memref<1x125x80xi32, #tpu.memory_space<hbm>> -> memref<125x80xi32, #tpu.memory_space<hbm>>
      %dma_wait3A_50 = arith.constant 0 : i32
      %dma_wait3A_51 = arith.constant 0 : i32
      %dma_wait3A_52 = tpu.memref_slice %arg4[%add3A, %dma_wait3A_50, %dma_wait3A_51] : memref<32x125x80xi32, #tpu.memory_space<hbm>> -> memref<1x125x80xi32, #tpu.memory_space<hbm>>
      %dma_wait3A_53 = tpu.memref_squeeze %dma_wait3A_52 : memref<1x125x80xi32, #tpu.memory_space<hbm>> -> memref<125x80xi32, #tpu.memory_space<hbm>>
      tpu.wait_dma2 semaphore(%run_scoped3A : memref<!tpu.dma_semaphore, #tpu.memory_space<semaphore_mem>>) src(%dma_wait3A_53 : memref<125x80xi32, #tpu.memory_space<hbm>>) dst(%arg10 : memref<125x80xi32, #tpu.memory_space<vmem>>)
      tpu.yield
    }) : () -> ()
    %barrier3A = arith.constant 0 : index
    tpu.barrier barrier_id(%barrier3A)
    %scan3A = arith.constant 0 : i32
    %scan3A_25 = arith.constant 0 : i32
    %scan3A_26 = arith.constant 125 : i32
    %scan3A_27 = arith.addi %scan3A_25, %scan3A_26 : i32
    %scan3A_28 = arith.constant 1 : i32
    scf.for %scan3A_40 = %scan3A_25 to %scan3A_27 step %scan3A_28  : i32 {
      %dma_start3A = arith.constant 0 : i32
      %dma_start3A_41 = tpu.memref_slice %arg9[%scan3A_40, %dma_start3A] : memref<125x80xi32, #tpu.memory_space<vmem>> -> memref<1x80xi32, #tpu.memory_space<vmem>>
      %dma_start3A_42 = tpu.memref_squeeze %dma_start3A_41 : memref<1x80xi32, #tpu.memory_space<vmem>> -> memref<80xi32, #tpu.memory_space<vmem>>
      %dma_start3A_43 = arith.constant 0 : i32
      %dma_start3A_44 = arith.constant 0 : i32
      %dma_start3A_45 = tpu.memref_slice %arg2[%dma_start3A_43, %dma_start3A_44] : memref<10000x128xf32, #tpu.memory_space<hbm>> -> memref<10000x128xf32, #tpu.memory_space<hbm>>
      tpu.enqueue_indirect_dma source(%dma_start3A_45 : memref<10000x128xf32, #tpu.memory_space<hbm>>) target(%arg11 : memref<80x128xf32, #tpu.memory_space<vmem>>) offsets(%dma_start3A_42 : memref<80xi32, #tpu.memory_space<vmem>>) semaphore(%arg15 : memref<!tpu.dma_semaphore, #tpu.memory_space<semaphore_mem>>)
      %dma_wait3A = arith.constant 0 : i32
      %dma_wait3A_46 = tpu.memref_slice %arg9[%scan3A_40, %dma_wait3A] : memref<125x80xi32, #tpu.memory_space<vmem>> -> memref<1x80xi32, #tpu.memory_space<vmem>>
      %dma_wait3A_47 = tpu.memref_squeeze %dma_wait3A_46 : memref<1x80xi32, #tpu.memory_space<vmem>> -> memref<80xi32, #tpu.memory_space<vmem>>
      %dma_wait3A_48 = arith.constant 0 : i32
      %dma_wait3A_49 = arith.constant 0 : i32
      %dma_wait3A_50 = tpu.memref_slice %arg2[%dma_wait3A_48, %dma_wait3A_49] : memref<10000x128xf32, #tpu.memory_space<hbm>> -> memref<10000x128xf32, #tpu.memory_space<hbm>>
      tpu.wait_indirect_dma semaphore(%arg15 : memref<!tpu.dma_semaphore, #tpu.memory_space<semaphore_mem>>) src(%dma_wait3A_50 : memref<10000x128xf32, #tpu.memory_space<hbm>>) dst(%arg11 : memref<80x128xf32, #tpu.memory_space<vmem>>)
      "tpu.region"() ({
        %run_scoped3A = tpu.sem_alloc : memref<!tpu.dma_semaphore, #tpu.memory_space<semaphore_mem>>
        %dma_start3A_51 = arith.constant 0 : i32
        %dma_start3A_52 = tpu.memref_slice %arg10[%scan3A_40, %dma_start3A_51] : memref<125x80xi32, #tpu.memory_space<vmem>> -> memref<1x80xi32, #tpu.memory_space<vmem>>
        %dma_start3A_53 = tpu.memref_squeeze %dma_start3A_52 : memref<1x80xi32, #tpu.memory_space<vmem>> -> memref<80xi32, #tpu.memory_space<vmem>>
        %dma_start3A_54 = arith.constant 0 : i32
        %dma_start3A_55 = arith.constant 0 : i32
        %dma_start3A_56 = tpu.memref_slice %arg13[%dma_start3A_54, %dma_start3A_55] : memref<10000x128xf32, #tpu.memory_space<vmem_shared>> -> memref<10000x128xf32, #tpu.memory_space<vmem_shared>>
        tpu.enqueue_indirect_dma source(%arg11 : memref<80x128xf32, #tpu.memory_space<vmem>>) target(%dma_start3A_56 : memref<10000x128xf32, #tpu.memory_space<vmem_shared>>) offsets(%dma_start3A_53 : memref<80xi32, #tpu.memory_space<vmem>>) semaphore(%run_scoped3A : memref<!tpu.dma_semaphore, #tpu.memory_space<semaphore_mem>>) {add = true}
        %dma_wait3A_57 = arith.constant 0 : i32
        %dma_wait3A_58 = tpu.memref_slice %arg10[%scan3A_40, %dma_wait3A_57] : memref<125x80xi32, #tpu.memory_space<vmem>> -> memref<1x80xi32, #tpu.memory_space<vmem>>
        %dma_wait3A_59 = tpu.memref_squeeze %dma_wait3A_58 : memref<1x80xi32, #tpu.memory_space<vmem>> -> memref<80xi32, #tpu.memory_space<vmem>>
        %dma_wait3A_60 = arith.constant 0 : i32
        %dma_wait3A_61 = arith.constant 0 : i32
        %dma_wait3A_62 = tpu.memref_slice %arg13[%dma_wait3A_60, %dma_wait3A_61] : memref<10000x128xf32, #tpu.memory_space<vmem_shared>> -> memref<10000x128xf32, #tpu.memory_space<vmem_shared>>
        tpu.wait_indirect_dma semaphore(%run_scoped3A : memref<!tpu.dma_semaphore, #tpu.memory_space<semaphore_mem>>) src(%arg11 : memref<80x128xf32, #tpu.memory_space<vmem>>) dst(%dma_wait3A_62 : memref<10000x128xf32, #tpu.memory_space<vmem_shared>>)
        tpu.yield
      }) : () -> ()
      "tpu.region"() ({
        %run_scoped3A = tpu.sem_alloc : memref<!tpu.dma_semaphore, #tpu.memory_space<semaphore_mem>>
        %dma_start3A_51 = arith.constant 0 : i32
        %dma_start3A_52 = tpu.memref_slice %arg10[%scan3A_40, %dma_start3A_51] : memref<125x80xi32, #tpu.memory_space<vmem>> -> memref<1x80xi32, #tpu.memory_space<vmem>>
        %dma_start3A_53 = tpu.memref_squeeze %dma_start3A_52 : memref<1x80xi32, #tpu.memory_space<vmem>> -> memref<80xi32, #tpu.memory_space<vmem>>
        %dma_start3A_54 = arith.constant 0 : i32
        %dma_start3A_55 = tpu.memref_slice %arg14[%dma_start3A_54] : memref<10000xf32, #tpu.memory_space<vmem_shared>> -> memref<10000xf32, #tpu.memory_space<vmem_shared>>
        tpu.enqueue_indirect_dma source(%arg12 : memref<80xf32, #tpu.memory_space<vmem>>) target(%dma_start3A_55 : memref<10000xf32, #tpu.memory_space<vmem_shared>>) offsets(%dma_start3A_53 : memref<80xi32, #tpu.memory_space<vmem>>) semaphore(%run_scoped3A : memref<!tpu.dma_semaphore, #tpu.memory_space<semaphore_mem>>) {add = true}
        %dma_wait3A_56 = arith.constant 0 : i32
        %dma_wait3A_57 = tpu.memref_slice %arg10[%scan3A_40, %dma_wait3A_56] : memref<125x80xi32, #tpu.memory_space<vmem>> -> memref<1x80xi32, #tpu.memory_space<vmem>>
        %dma_wait3A_58 = tpu.memref_squeeze %dma_wait3A_57 : memref<1x80xi32, #tpu.memory_space<vmem>> -> memref<80xi32, #tpu.memory_space<vmem>>
        %dma_wait3A_59 = arith.constant 0 : i32
        %dma_wait3A_60 = tpu.memref_slice %arg14[%dma_wait3A_59] : memref<10000xf32, #tpu.memory_space<vmem_shared>> -> memref<10000xf32, #tpu.memory_space<vmem_shared>>
        tpu.wait_indirect_dma semaphore(%run_scoped3A : memref<!tpu.dma_semaphore, #tpu.memory_space<semaphore_mem>>) src(%arg12 : memref<80xf32, #tpu.memory_space<vmem>>) dst(%dma_wait3A_60 : memref<10000xf32, #tpu.memory_space<vmem_shared>>)
        tpu.yield
      }) : () -> ()
    }
    %scan3A_29 = arith.constant 125 : i32
    %barrier3A_30 = arith.constant 0 : index
    tpu.barrier barrier_id(%barrier3A_30)
    %mul3A_31 = arith.constant 624 : i32
    %mul3A_32 = arith.muli %arg1, %mul3A_31 : i32
    %mul3A_33 = arith.constant 624 : i32
    %mul3A_34 = arith.muli %arg1, %mul3A_33 : i32
    "tpu.region"() ({
      %run_scoped3A = tpu.sem_alloc : memref<!tpu.dma_semaphore, #tpu.memory_space<semaphore_mem>>
      %dma_start3A = arith.constant 0 : i32
      %dma_start3A_40 = tpu.memref_slice %arg7[%arg0, %mul3A_34, %dma_start3A] : memref<2x10000x128xf32, #tpu.memory_space<hbm>> -> memref<1x624x128xf32, #tpu.memory_space<hbm>>
      %dma_start3A_41 = tpu.memref_squeeze %dma_start3A_40 : memref<1x624x128xf32, #tpu.memory_space<hbm>> -> memref<624x128xf32, #tpu.memory_space<hbm>>
      %dma_start3A_42 = arith.constant 0 : i32
      %dma_start3A_43 = tpu.memref_slice %arg13[%mul3A_32, %dma_start3A_42] : memref<10000x128xf32, #tpu.memory_space<vmem_shared>> -> memref<624x128xf32, #tpu.memory_space<vmem_shared>>
      tpu.enqueue_dma source(%dma_start3A_43 : memref<624x128xf32, #tpu.memory_space<vmem_shared>>) target(%dma_start3A_41 : memref<624x128xf32, #tpu.memory_space<hbm>>) target_semaphore(%run_scoped3A : memref<!tpu.dma_semaphore, #tpu.memory_space<semaphore_mem>>)
      %dma_wait3A = arith.constant 0 : i32
      %dma_wait3A_44 = tpu.memref_slice %arg7[%arg0, %mul3A_34, %dma_wait3A] : memref<2x10000x128xf32, #tpu.memory_space<hbm>> -> memref<1x624x128xf32, #tpu.memory_space<hbm>>
      %dma_wait3A_45 = tpu.memref_squeeze %dma_wait3A_44 : memref<1x624x128xf32, #tpu.memory_space<hbm>> -> memref<624x128xf32, #tpu.memory_space<hbm>>
      %dma_wait3A_46 = arith.constant 0 : i32
      %dma_wait3A_47 = tpu.memref_slice %arg13[%mul3A_32, %dma_wait3A_46] : memref<10000x128xf32, #tpu.memory_space<vmem_shared>> -> memref<624x128xf32, #tpu.memory_space<vmem_shared>>
      tpu.wait_dma2 semaphore(%run_scoped3A : memref<!tpu.dma_semaphore, #tpu.memory_space<semaphore_mem>>) src(%dma_wait3A_47 : memref<624x128xf32, #tpu.memory_space<vmem_shared>>) dst(%dma_wait3A_45 : memref<624x128xf32, #tpu.memory_space<hbm>>)
      tpu.yield
    }) : () -> ()
    %eq3A_35 = arith.constant 0 : i32
    %eq3A_36 = arith.cmpi eq, %arg1, %eq3A_35 : i32
    %convert_element_type3A_37 = arith.extui %eq3A_36 : i1 to i32
    %cond3A_38 = arith.constant 0 : i32
    %cond3A_39 = arith.cmpi ne, %convert_element_type3A_37, %cond3A_38 : i32
    scf.if %cond3A_39 {
      "tpu.region"() ({
        %run_scoped3A_40 = tpu.sem_alloc : memref<!tpu.dma_semaphore, #tpu.memory_space<semaphore_mem>>
        %dma_start3A = arith.constant 9984 : i32
        %dma_start3A_41 = arith.constant 0 : i32
        %dma_start3A_42 = tpu.memref_slice %arg7[%arg0, %dma_start3A, %dma_start3A_41] : memref<2x10000x128xf32, #tpu.memory_space<hbm>> -> memref<1x16x128xf32, #tpu.memory_space<hbm>>
        %dma_start3A_43 = tpu.memref_squeeze %dma_start3A_42 : memref<1x16x128xf32, #tpu.memory_space<hbm>> -> memref<16x128xf32, #tpu.memory_space<hbm>>
        %dma_start3A_44 = arith.constant 9984 : i32
        %dma_start3A_45 = arith.constant 0 : i32
        %dma_start3A_46 = tpu.memref_slice %arg13[%dma_start3A_44, %dma_start3A_45] : memref<10000x128xf32, #tpu.memory_space<vmem_shared>> -> memref<16x128xf32, #tpu.memory_space<vmem_shared>>
        tpu.enqueue_dma source(%dma_start3A_46 : memref<16x128xf32, #tpu.memory_space<vmem_shared>>) target(%dma_start3A_43 : memref<16x128xf32, #tpu.memory_space<hbm>>) target_semaphore(%run_scoped3A_40 : memref<!tpu.dma_semaphore, #tpu.memory_space<semaphore_mem>>)
        %dma_wait3A = arith.constant 9984 : i32
        %dma_wait3A_47 = arith.constant 0 : i32
        %dma_wait3A_48 = tpu.memref_slice %arg7[%arg0, %dma_wait3A, %dma_wait3A_47] : memref<2x10000x128xf32, #tpu.memory_space<hbm>> -> memref<1x16x128xf32, #tpu.memory_space<hbm>>
        %dma_wait3A_49 = tpu.memref_squeeze %dma_wait3A_48 : memref<1x16x128xf32, #tpu.memory_space<hbm>> -> memref<16x128xf32, #tpu.memory_space<hbm>>
        %dma_wait3A_50 = arith.constant 9984 : i32
        %dma_wait3A_51 = arith.constant 0 : i32
        %dma_wait3A_52 = tpu.memref_slice %arg13[%dma_wait3A_50, %dma_wait3A_51] : memref<10000x128xf32, #tpu.memory_space<vmem_shared>> -> memref<16x128xf32, #tpu.memory_space<vmem_shared>>
        tpu.wait_dma2 semaphore(%run_scoped3A_40 : memref<!tpu.dma_semaphore, #tpu.memory_space<semaphore_mem>>) src(%dma_wait3A_52 : memref<16x128xf32, #tpu.memory_space<vmem_shared>>) dst(%dma_wait3A_49 : memref<16x128xf32, #tpu.memory_space<hbm>>)
        tpu.yield
      }) : () -> ()
      %run_scoped3A = arith.constant 0 : i32
      "tpu.region"() ({
        %run_scoped3A_40 = tpu.sem_alloc : memref<!tpu.dma_semaphore, #tpu.memory_space<semaphore_mem>>
        %dma_start3A = arith.constant 0 : i32
        %dma_start3A_41 = tpu.memref_slice %arg8[%arg0, %run_scoped3A, %dma_start3A] : memref<2x1x10000xf32, #tpu.memory_space<hbm>> -> memref<1x1x10000xf32, #tpu.memory_space<hbm>>
        %dma_start3A_42 = tpu.memref_squeeze %dma_start3A_41 : memref<1x1x10000xf32, #tpu.memory_space<hbm>> -> memref<10000xf32, #tpu.memory_space<hbm>>
        tpu.enqueue_dma source(%arg14 : memref<10000xf32, #tpu.memory_space<vmem_shared>>) target(%dma_start3A_42 : memref<10000xf32, #tpu.memory_space<hbm>>) target_semaphore(%run_scoped3A_40 : memref<!tpu.dma_semaphore, #tpu.memory_space<semaphore_mem>>)
        %dma_wait3A = arith.constant 0 : i32
        %dma_wait3A_43 = tpu.memref_slice %arg8[%arg0, %run_scoped3A, %dma_wait3A] : memref<2x1x10000xf32, #tpu.memory_space<hbm>> -> memref<1x1x10000xf32, #tpu.memory_space<hbm>>
        %dma_wait3A_44 = tpu.memref_squeeze %dma_wait3A_43 : memref<1x1x10000xf32, #tpu.memory_space<hbm>> -> memref<10000xf32, #tpu.memory_space<hbm>>
        tpu.wait_dma2 semaphore(%run_scoped3A_40 : memref<!tpu.dma_semaphore, #tpu.memory_space<semaphore_mem>>) src(%arg14 : memref<10000xf32, #tpu.memory_space<vmem_shared>>) dst(%dma_wait3A_44 : memref<10000xf32, #tpu.memory_space<hbm>>)
        tpu.yield
      }) : () -> ()
    } else {
    }
    return
  }
}

#map = affine_map<(d0, d1) -> (0, 0, 0)>
#map1 = affine_map<(d0, d1) -> (0)>
module attributes {stable_mosaic.version = 14 : i64} {
  func.func @_gat_edges(%arg0: i32, %arg1: i32, %arg2: memref<4x1x10000xf32, #tpu.memory_space<hbm>>, %arg3: memref<32x125x80xi32, #tpu.memory_space<hbm>>, %arg4: memref<32x125x80xi32, #tpu.memory_space<hbm>>, %arg5: memref<10000xf32, #tpu.memory_space<hbm>>, %arg6: memref<16xf32, #tpu.memory_space<hbm>>, %arg7: memref<2x1x10000xf32, #tpu.memory_space<hbm>>, %arg8: memref<2x1x10000xf32, #tpu.memory_space<hbm>>, %arg9: memref<2x1x10000xf32, #tpu.memory_space<hbm>>, %arg10: memref<10000xf32, #tpu.memory_space<vmem>>, %arg11: memref<10000xf32, #tpu.memory_space<vmem>>, %arg12: memref<10000xf32, #tpu.memory_space<vmem>>, %arg13: memref<10000xf32, #tpu.memory_space<vmem>>, %arg14: memref<125x80xi32, #tpu.memory_space<vmem>>, %arg15: memref<125x80xi32, #tpu.memory_space<vmem>>, %arg16: memref<80xf32, #tpu.memory_space<vmem>>, %arg17: memref<80xf32, #tpu.memory_space<vmem>>, %arg18: memref<80xf32, #tpu.memory_space<vmem>>, %arg19: memref<16xf32, #tpu.memory_space<vmem>>, %arg20: memref<10000xf32, #tpu.memory_space<vmem_shared>>, %arg21: memref<10000xf32, #tpu.memory_space<vmem_shared>>, %arg22: memref<10000xf32, #tpu.memory_space<vmem_shared>>) attributes {dimension_semantics = [#tpu.dimension_semantics<core_parallel>, #tpu.dimension_semantics<subcore_parallel>], iteration_bounds = array<i64: 2, 16>, scalar_prefetch = 0 : i64, scratch_operands = 13 : i64, tpu.core_type = #tpu.core_type<sc_vector_subcore>, window_params = [{transform_indices = #map}, {transform_indices = #map}, {transform_indices = #map}, {transform_indices = #map1}, {transform_indices = #map1}, {transform_indices = #map}, {transform_indices = #map}, {transform_indices = #map}]} {
    %mul3A = arith.constant 2 : i32
    %mul3A_0 = arith.muli %arg1, %mul3A : i32
    %add3A = arith.addi %mul3A_0, %arg0 : i32
    %eq3A = arith.constant 0 : i32
    %eq3A_1 = arith.cmpi eq, %arg1, %eq3A : i32
    %convert_element_type3A = arith.extui %eq3A_1 : i1 to i32
    %cond3A = arith.constant 0 : i32
    %cond3A_2 = arith.cmpi ne, %convert_element_type3A, %cond3A : i32
    scf.if %cond3A_2 {
      "tpu.region"() ({
        %run_scoped3A_22 = tpu.sem_alloc : memref<!tpu.dma_semaphore, #tpu.memory_space<semaphore_mem>>
        tpu.enqueue_dma source(%arg5 : memref<10000xf32, #tpu.memory_space<hbm>>) target(%arg20 : memref<10000xf32, #tpu.memory_space<vmem_shared>>) target_semaphore(%run_scoped3A_22 : memref<!tpu.dma_semaphore, #tpu.memory_space<semaphore_mem>>)
        tpu.wait_dma2 semaphore(%run_scoped3A_22 : memref<!tpu.dma_semaphore, #tpu.memory_space<semaphore_mem>>) src(%arg5 : memref<10000xf32, #tpu.memory_space<hbm>>) dst(%arg20 : memref<10000xf32, #tpu.memory_space<vmem_shared>>)
        tpu.yield
      }) : () -> ()
      "tpu.region"() ({
        %run_scoped3A_22 = tpu.sem_alloc : memref<!tpu.dma_semaphore, #tpu.memory_space<semaphore_mem>>
        tpu.enqueue_dma source(%arg5 : memref<10000xf32, #tpu.memory_space<hbm>>) target(%arg21 : memref<10000xf32, #tpu.memory_space<vmem_shared>>) target_semaphore(%run_scoped3A_22 : memref<!tpu.dma_semaphore, #tpu.memory_space<semaphore_mem>>)
        tpu.wait_dma2 semaphore(%run_scoped3A_22 : memref<!tpu.dma_semaphore, #tpu.memory_space<semaphore_mem>>) src(%arg5 : memref<10000xf32, #tpu.memory_space<hbm>>) dst(%arg21 : memref<10000xf32, #tpu.memory_space<vmem_shared>>)
        tpu.yield
      }) : () -> ()
      "tpu.region"() ({
        %run_scoped3A_22 = tpu.sem_alloc : memref<!tpu.dma_semaphore, #tpu.memory_space<semaphore_mem>>
        tpu.enqueue_dma source(%arg5 : memref<10000xf32, #tpu.memory_space<hbm>>) target(%arg22 : memref<10000xf32, #tpu.memory_space<vmem_shared>>) target_semaphore(%run_scoped3A_22 : memref<!tpu.dma_semaphore, #tpu.memory_space<semaphore_mem>>)
        tpu.wait_dma2 semaphore(%run_scoped3A_22 : memref<!tpu.dma_semaphore, #tpu.memory_space<semaphore_mem>>) src(%arg5 : memref<10000xf32, #tpu.memory_space<hbm>>) dst(%arg22 : memref<10000xf32, #tpu.memory_space<vmem_shared>>)
        tpu.yield
      }) : () -> ()
    } else {
    }
    %run_scoped3A = arith.constant 0 : i32
    %run_scoped3A_3 = arith.constant 0 : i32
    "tpu.region"() ({
      %run_scoped3A_22 = tpu.sem_alloc : memref<!tpu.dma_semaphore, #tpu.memory_space<semaphore_mem>>
      %dma_start3A = arith.constant 0 : i32
      %dma_start3A_23 = tpu.memref_slice %arg2[%run_scoped3A, %run_scoped3A_3, %dma_start3A] : memref<4x1x10000xf32, #tpu.memory_space<hbm>> -> memref<1x1x10000xf32, #tpu.memory_space<hbm>>
      %dma_start3A_24 = tpu.memref_squeeze %dma_start3A_23 : memref<1x1x10000xf32, #tpu.memory_space<hbm>> -> memref<10000xf32, #tpu.memory_space<hbm>>
      %dma_start3A_25 = arith.constant 0 : i32
      %dma_start3A_26 = tpu.memref_slice %arg2[%run_scoped3A, %run_scoped3A_3, %dma_start3A_25] : memref<4x1x10000xf32, #tpu.memory_space<hbm>> -> memref<1x1x10000xf32, #tpu.memory_space<hbm>>
      %dma_start3A_27 = tpu.memref_squeeze %dma_start3A_26 : memref<1x1x10000xf32, #tpu.memory_space<hbm>> -> memref<10000xf32, #tpu.memory_space<hbm>>
      tpu.enqueue_dma source(%dma_start3A_27 : memref<10000xf32, #tpu.memory_space<hbm>>) target(%arg10 : memref<10000xf32, #tpu.memory_space<vmem>>) target_semaphore(%run_scoped3A_22 : memref<!tpu.dma_semaphore, #tpu.memory_space<semaphore_mem>>)
      %dma_wait3A = arith.constant 0 : i32
      %dma_wait3A_28 = tpu.memref_slice %arg2[%run_scoped3A, %run_scoped3A_3, %dma_wait3A] : memref<4x1x10000xf32, #tpu.memory_space<hbm>> -> memref<1x1x10000xf32, #tpu.memory_space<hbm>>
      %dma_wait3A_29 = tpu.memref_squeeze %dma_wait3A_28 : memref<1x1x10000xf32, #tpu.memory_space<hbm>> -> memref<10000xf32, #tpu.memory_space<hbm>>
      %dma_wait3A_30 = arith.constant 0 : i32
      %dma_wait3A_31 = tpu.memref_slice %arg2[%run_scoped3A, %run_scoped3A_3, %dma_wait3A_30] : memref<4x1x10000xf32, #tpu.memory_space<hbm>> -> memref<1x1x10000xf32, #tpu.memory_space<hbm>>
      %dma_wait3A_32 = tpu.memref_squeeze %dma_wait3A_31 : memref<1x1x10000xf32, #tpu.memory_space<hbm>> -> memref<10000xf32, #tpu.memory_space<hbm>>
      tpu.wait_dma2 semaphore(%run_scoped3A_22 : memref<!tpu.dma_semaphore, #tpu.memory_space<semaphore_mem>>) src(%dma_wait3A_32 : memref<10000xf32, #tpu.memory_space<hbm>>) dst(%arg10 : memref<10000xf32, #tpu.memory_space<vmem>>)
      tpu.yield
    }) : () -> ()
    %run_scoped3A_4 = arith.constant 1 : i32
    %run_scoped3A_5 = arith.constant 0 : i32
    "tpu.region"() ({
      %run_scoped3A_22 = tpu.sem_alloc : memref<!tpu.dma_semaphore, #tpu.memory_space<semaphore_mem>>
      %dma_start3A = arith.constant 0 : i32
      %dma_start3A_23 = tpu.memref_slice %arg2[%run_scoped3A_4, %run_scoped3A_5, %dma_start3A] : memref<4x1x10000xf32, #tpu.memory_space<hbm>> -> memref<1x1x10000xf32, #tpu.memory_space<hbm>>
      %dma_start3A_24 = tpu.memref_squeeze %dma_start3A_23 : memref<1x1x10000xf32, #tpu.memory_space<hbm>> -> memref<10000xf32, #tpu.memory_space<hbm>>
      %dma_start3A_25 = arith.constant 0 : i32
      %dma_start3A_26 = tpu.memref_slice %arg2[%run_scoped3A_4, %run_scoped3A_5, %dma_start3A_25] : memref<4x1x10000xf32, #tpu.memory_space<hbm>> -> memref<1x1x10000xf32, #tpu.memory_space<hbm>>
      %dma_start3A_27 = tpu.memref_squeeze %dma_start3A_26 : memref<1x1x10000xf32, #tpu.memory_space<hbm>> -> memref<10000xf32, #tpu.memory_space<hbm>>
      tpu.enqueue_dma source(%dma_start3A_27 : memref<10000xf32, #tpu.memory_space<hbm>>) target(%arg11 : memref<10000xf32, #tpu.memory_space<vmem>>) target_semaphore(%run_scoped3A_22 : memref<!tpu.dma_semaphore, #tpu.memory_space<semaphore_mem>>)
      %dma_wait3A = arith.constant 0 : i32
      %dma_wait3A_28 = tpu.memref_slice %arg2[%run_scoped3A_4, %run_scoped3A_5, %dma_wait3A] : memref<4x1x10000xf32, #tpu.memory_space<hbm>> -> memref<1x1x10000xf32, #tpu.memory_space<hbm>>
      %dma_wait3A_29 = tpu.memref_squeeze %dma_wait3A_28 : memref<1x1x10000xf32, #tpu.memory_space<hbm>> -> memref<10000xf32, #tpu.memory_space<hbm>>
      %dma_wait3A_30 = arith.constant 0 : i32
      %dma_wait3A_31 = tpu.memref_slice %arg2[%run_scoped3A_4, %run_scoped3A_5, %dma_wait3A_30] : memref<4x1x10000xf32, #tpu.memory_space<hbm>> -> memref<1x1x10000xf32, #tpu.memory_space<hbm>>
      %dma_wait3A_32 = tpu.memref_squeeze %dma_wait3A_31 : memref<1x1x10000xf32, #tpu.memory_space<hbm>> -> memref<10000xf32, #tpu.memory_space<hbm>>
      tpu.wait_dma2 semaphore(%run_scoped3A_22 : memref<!tpu.dma_semaphore, #tpu.memory_space<semaphore_mem>>) src(%dma_wait3A_32 : memref<10000xf32, #tpu.memory_space<hbm>>) dst(%arg11 : memref<10000xf32, #tpu.memory_space<vmem>>)
      tpu.yield
    }) : () -> ()
    %run_scoped3A_6 = arith.constant 2 : i32
    %run_scoped3A_7 = arith.constant 0 : i32
    "tpu.region"() ({
      %run_scoped3A_22 = tpu.sem_alloc : memref<!tpu.dma_semaphore, #tpu.memory_space<semaphore_mem>>
      %dma_start3A = arith.constant 0 : i32
      %dma_start3A_23 = tpu.memref_slice %arg2[%run_scoped3A_6, %run_scoped3A_7, %dma_start3A] : memref<4x1x10000xf32, #tpu.memory_space<hbm>> -> memref<1x1x10000xf32, #tpu.memory_space<hbm>>
      %dma_start3A_24 = tpu.memref_squeeze %dma_start3A_23 : memref<1x1x10000xf32, #tpu.memory_space<hbm>> -> memref<10000xf32, #tpu.memory_space<hbm>>
      %dma_start3A_25 = arith.constant 0 : i32
      %dma_start3A_26 = tpu.memref_slice %arg2[%run_scoped3A_6, %run_scoped3A_7, %dma_start3A_25] : memref<4x1x10000xf32, #tpu.memory_space<hbm>> -> memref<1x1x10000xf32, #tpu.memory_space<hbm>>
      %dma_start3A_27 = tpu.memref_squeeze %dma_start3A_26 : memref<1x1x10000xf32, #tpu.memory_space<hbm>> -> memref<10000xf32, #tpu.memory_space<hbm>>
      tpu.enqueue_dma source(%dma_start3A_27 : memref<10000xf32, #tpu.memory_space<hbm>>) target(%arg12 : memref<10000xf32, #tpu.memory_space<vmem>>) target_semaphore(%run_scoped3A_22 : memref<!tpu.dma_semaphore, #tpu.memory_space<semaphore_mem>>)
      %dma_wait3A = arith.constant 0 : i32
      %dma_wait3A_28 = tpu.memref_slice %arg2[%run_scoped3A_6, %run_scoped3A_7, %dma_wait3A] : memref<4x1x10000xf32, #tpu.memory_space<hbm>> -> memref<1x1x10000xf32, #tpu.memory_space<hbm>>
      %dma_wait3A_29 = tpu.memref_squeeze %dma_wait3A_28 : memref<1x1x10000xf32, #tpu.memory_space<hbm>> -> memref<10000xf32, #tpu.memory_space<hbm>>
      %dma_wait3A_30 = arith.constant 0 : i32
      %dma_wait3A_31 = tpu.memref_slice %arg2[%run_scoped3A_6, %run_scoped3A_7, %dma_wait3A_30] : memref<4x1x10000xf32, #tpu.memory_space<hbm>> -> memref<1x1x10000xf32, #tpu.memory_space<hbm>>
      %dma_wait3A_32 = tpu.memref_squeeze %dma_wait3A_31 : memref<1x1x10000xf32, #tpu.memory_space<hbm>> -> memref<10000xf32, #tpu.memory_space<hbm>>
      tpu.wait_dma2 semaphore(%run_scoped3A_22 : memref<!tpu.dma_semaphore, #tpu.memory_space<semaphore_mem>>) src(%dma_wait3A_32 : memref<10000xf32, #tpu.memory_space<hbm>>) dst(%arg12 : memref<10000xf32, #tpu.memory_space<vmem>>)
      tpu.yield
    }) : () -> ()
    %run_scoped3A_8 = arith.constant 3 : i32
    %run_scoped3A_9 = arith.constant 0 : i32
    "tpu.region"() ({
      %run_scoped3A_22 = tpu.sem_alloc : memref<!tpu.dma_semaphore, #tpu.memory_space<semaphore_mem>>
      %dma_start3A = arith.constant 0 : i32
      %dma_start3A_23 = tpu.memref_slice %arg2[%run_scoped3A_8, %run_scoped3A_9, %dma_start3A] : memref<4x1x10000xf32, #tpu.memory_space<hbm>> -> memref<1x1x10000xf32, #tpu.memory_space<hbm>>
      %dma_start3A_24 = tpu.memref_squeeze %dma_start3A_23 : memref<1x1x10000xf32, #tpu.memory_space<hbm>> -> memref<10000xf32, #tpu.memory_space<hbm>>
      %dma_start3A_25 = arith.constant 0 : i32
      %dma_start3A_26 = tpu.memref_slice %arg2[%run_scoped3A_8, %run_scoped3A_9, %dma_start3A_25] : memref<4x1x10000xf32, #tpu.memory_space<hbm>> -> memref<1x1x10000xf32, #tpu.memory_space<hbm>>
      %dma_start3A_27 = tpu.memref_squeeze %dma_start3A_26 : memref<1x1x10000xf32, #tpu.memory_space<hbm>> -> memref<10000xf32, #tpu.memory_space<hbm>>
      tpu.enqueue_dma source(%dma_start3A_27 : memref<10000xf32, #tpu.memory_space<hbm>>) target(%arg13 : memref<10000xf32, #tpu.memory_space<vmem>>) target_semaphore(%run_scoped3A_22 : memref<!tpu.dma_semaphore, #tpu.memory_space<semaphore_mem>>)
      %dma_wait3A = arith.constant 0 : i32
      %dma_wait3A_28 = tpu.memref_slice %arg2[%run_scoped3A_8, %run_scoped3A_9, %dma_wait3A] : memref<4x1x10000xf32, #tpu.memory_space<hbm>> -> memref<1x1x10000xf32, #tpu.memory_space<hbm>>
      %dma_wait3A_29 = tpu.memref_squeeze %dma_wait3A_28 : memref<1x1x10000xf32, #tpu.memory_space<hbm>> -> memref<10000xf32, #tpu.memory_space<hbm>>
      %dma_wait3A_30 = arith.constant 0 : i32
      %dma_wait3A_31 = tpu.memref_slice %arg2[%run_scoped3A_8, %run_scoped3A_9, %dma_wait3A_30] : memref<4x1x10000xf32, #tpu.memory_space<hbm>> -> memref<1x1x10000xf32, #tpu.memory_space<hbm>>
      %dma_wait3A_32 = tpu.memref_squeeze %dma_wait3A_31 : memref<1x1x10000xf32, #tpu.memory_space<hbm>> -> memref<10000xf32, #tpu.memory_space<hbm>>
      tpu.wait_dma2 semaphore(%run_scoped3A_22 : memref<!tpu.dma_semaphore, #tpu.memory_space<semaphore_mem>>) src(%dma_wait3A_32 : memref<10000xf32, #tpu.memory_space<hbm>>) dst(%arg13 : memref<10000xf32, #tpu.memory_space<vmem>>)
      tpu.yield
    }) : () -> ()
    "tpu.region"() ({
      %run_scoped3A_22 = tpu.sem_alloc : memref<!tpu.dma_semaphore, #tpu.memory_space<semaphore_mem>>
      tpu.enqueue_dma source(%arg6 : memref<16xf32, #tpu.memory_space<hbm>>) target(%arg19 : memref<16xf32, #tpu.memory_space<vmem>>) target_semaphore(%run_scoped3A_22 : memref<!tpu.dma_semaphore, #tpu.memory_space<semaphore_mem>>)
      tpu.wait_dma2 semaphore(%run_scoped3A_22 : memref<!tpu.dma_semaphore, #tpu.memory_space<semaphore_mem>>) src(%arg6 : memref<16xf32, #tpu.memory_space<hbm>>) dst(%arg19 : memref<16xf32, #tpu.memory_space<vmem>>)
      tpu.yield
    }) : () -> ()
    "tpu.region"() ({
      %run_scoped3A_22 = tpu.sem_alloc : memref<!tpu.dma_semaphore, #tpu.memory_space<semaphore_mem>>
      %dma_start3A = arith.constant 0 : i32
      %dma_start3A_23 = arith.constant 0 : i32
      %dma_start3A_24 = tpu.memref_slice %arg3[%add3A, %dma_start3A, %dma_start3A_23] : memref<32x125x80xi32, #tpu.memory_space<hbm>> -> memref<1x125x80xi32, #tpu.memory_space<hbm>>
      %dma_start3A_25 = tpu.memref_squeeze %dma_start3A_24 : memref<1x125x80xi32, #tpu.memory_space<hbm>> -> memref<125x80xi32, #tpu.memory_space<hbm>>
      %dma_start3A_26 = arith.constant 0 : i32
      %dma_start3A_27 = arith.constant 0 : i32
      %dma_start3A_28 = tpu.memref_slice %arg3[%add3A, %dma_start3A_26, %dma_start3A_27] : memref<32x125x80xi32, #tpu.memory_space<hbm>> -> memref<1x125x80xi32, #tpu.memory_space<hbm>>
      %dma_start3A_29 = tpu.memref_squeeze %dma_start3A_28 : memref<1x125x80xi32, #tpu.memory_space<hbm>> -> memref<125x80xi32, #tpu.memory_space<hbm>>
      tpu.enqueue_dma source(%dma_start3A_29 : memref<125x80xi32, #tpu.memory_space<hbm>>) target(%arg14 : memref<125x80xi32, #tpu.memory_space<vmem>>) target_semaphore(%run_scoped3A_22 : memref<!tpu.dma_semaphore, #tpu.memory_space<semaphore_mem>>)
      %dma_wait3A = arith.constant 0 : i32
      %dma_wait3A_30 = arith.constant 0 : i32
      %dma_wait3A_31 = tpu.memref_slice %arg3[%add3A, %dma_wait3A, %dma_wait3A_30] : memref<32x125x80xi32, #tpu.memory_space<hbm>> -> memref<1x125x80xi32, #tpu.memory_space<hbm>>
      %dma_wait3A_32 = tpu.memref_squeeze %dma_wait3A_31 : memref<1x125x80xi32, #tpu.memory_space<hbm>> -> memref<125x80xi32, #tpu.memory_space<hbm>>
      %dma_wait3A_33 = arith.constant 0 : i32
      %dma_wait3A_34 = arith.constant 0 : i32
      %dma_wait3A_35 = tpu.memref_slice %arg3[%add3A, %dma_wait3A_33, %dma_wait3A_34] : memref<32x125x80xi32, #tpu.memory_space<hbm>> -> memref<1x125x80xi32, #tpu.memory_space<hbm>>
      %dma_wait3A_36 = tpu.memref_squeeze %dma_wait3A_35 : memref<1x125x80xi32, #tpu.memory_space<hbm>> -> memref<125x80xi32, #tpu.memory_space<hbm>>
      tpu.wait_dma2 semaphore(%run_scoped3A_22 : memref<!tpu.dma_semaphore, #tpu.memory_space<semaphore_mem>>) src(%dma_wait3A_36 : memref<125x80xi32, #tpu.memory_space<hbm>>) dst(%arg14 : memref<125x80xi32, #tpu.memory_space<vmem>>)
      tpu.yield
    }) : () -> ()
    "tpu.region"() ({
      %run_scoped3A_22 = tpu.sem_alloc : memref<!tpu.dma_semaphore, #tpu.memory_space<semaphore_mem>>
      %dma_start3A = arith.constant 0 : i32
      %dma_start3A_23 = arith.constant 0 : i32
      %dma_start3A_24 = tpu.memref_slice %arg4[%add3A, %dma_start3A, %dma_start3A_23] : memref<32x125x80xi32, #tpu.memory_space<hbm>> -> memref<1x125x80xi32, #tpu.memory_space<hbm>>
      %dma_start3A_25 = tpu.memref_squeeze %dma_start3A_24 : memref<1x125x80xi32, #tpu.memory_space<hbm>> -> memref<125x80xi32, #tpu.memory_space<hbm>>
      %dma_start3A_26 = arith.constant 0 : i32
      %dma_start3A_27 = arith.constant 0 : i32
      %dma_start3A_28 = tpu.memref_slice %arg4[%add3A, %dma_start3A_26, %dma_start3A_27] : memref<32x125x80xi32, #tpu.memory_space<hbm>> -> memref<1x125x80xi32, #tpu.memory_space<hbm>>
      %dma_start3A_29 = tpu.memref_squeeze %dma_start3A_28 : memref<1x125x80xi32, #tpu.memory_space<hbm>> -> memref<125x80xi32, #tpu.memory_space<hbm>>
      tpu.enqueue_dma source(%dma_start3A_29 : memref<125x80xi32, #tpu.memory_space<hbm>>) target(%arg15 : memref<125x80xi32, #tpu.memory_space<vmem>>) target_semaphore(%run_scoped3A_22 : memref<!tpu.dma_semaphore, #tpu.memory_space<semaphore_mem>>)
      %dma_wait3A = arith.constant 0 : i32
      %dma_wait3A_30 = arith.constant 0 : i32
      %dma_wait3A_31 = tpu.memref_slice %arg4[%add3A, %dma_wait3A, %dma_wait3A_30] : memref<32x125x80xi32, #tpu.memory_space<hbm>> -> memref<1x125x80xi32, #tpu.memory_space<hbm>>
      %dma_wait3A_32 = tpu.memref_squeeze %dma_wait3A_31 : memref<1x125x80xi32, #tpu.memory_space<hbm>> -> memref<125x80xi32, #tpu.memory_space<hbm>>
      %dma_wait3A_33 = arith.constant 0 : i32
      %dma_wait3A_34 = arith.constant 0 : i32
      %dma_wait3A_35 = tpu.memref_slice %arg4[%add3A, %dma_wait3A_33, %dma_wait3A_34] : memref<32x125x80xi32, #tpu.memory_space<hbm>> -> memref<1x125x80xi32, #tpu.memory_space<hbm>>
      %dma_wait3A_36 = tpu.memref_squeeze %dma_wait3A_35 : memref<1x125x80xi32, #tpu.memory_space<hbm>> -> memref<125x80xi32, #tpu.memory_space<hbm>>
      tpu.wait_dma2 semaphore(%run_scoped3A_22 : memref<!tpu.dma_semaphore, #tpu.memory_space<semaphore_mem>>) src(%dma_wait3A_36 : memref<125x80xi32, #tpu.memory_space<hbm>>) dst(%arg15 : memref<125x80xi32, #tpu.memory_space<vmem>>)
      tpu.yield
    }) : () -> ()
    %barrier3A = arith.constant 0 : index
    tpu.barrier barrier_id(%barrier3A)
    %get3A = arith.constant 0 : index
    %get3A_10 = tpu.vector_load %arg19[%get3A] {strides = array<i32>} : memref<16xf32, #tpu.memory_space<vmem>>, vector<16xf32>,
    %scan3A = arith.constant 0 : i32
    %scan3A_11 = arith.constant 0 : i32
    %scan3A_12 = arith.constant 125 : i32
    %scan3A_13 = arith.addi %scan3A_11, %scan3A_12 : i32
    %scan3A_14 = arith.constant 1 : i32
    scf.for %scan3A_22 = %scan3A_11 to %scan3A_13 step %scan3A_14  : i32 {
      %get3A_23 = arith.index_cast %scan3A_22 : i32 to index
      %get3A_24 = arith.constant 0 : index
      %get3A_25 = tpu.vector_load %arg14[%get3A_23, %get3A_24] {strides = array<i32>} : memref<125x80xi32, #tpu.memory_space<vmem>>, vector<16xi32>,
      %get3A_26 = arith.index_cast %scan3A_22 : i32 to index
      %get3A_27 = arith.constant 0 : index
      %get3A_28 = tpu.vector_load %arg15[%get3A_26, %get3A_27] {strides = array<i32>} : memref<125x80xi32, #tpu.memory_space<vmem>>, vector<16xi32>,
      %gather3A = tpu.vector_load_idx %arg10[%get3A_25] : memref<10000xf32, #tpu.memory_space<vmem>>[vector<16xi32>], vector<16xf32>,
      %gather3A_29 = tpu.vector_load_idx %arg11[%get3A_28] : memref<10000xf32, #tpu.memory_space<vmem>>[vector<16xi32>], vector<16xf32>,
      %add3A_30 = arith.addf %gather3A, %gather3A_29 : vector<16xf32>
      %mul3A_31 = arith.constant 2.000000e-01 : f32
      %mul3A_32 = vector.broadcast %mul3A_31 : f32 to vector<16xf32>
      %mul3A_33 = arith.mulf %mul3A_32, %add3A_30 : vector<16xf32>
      %max3A = arith.maximumf %add3A_30, %mul3A_33 : vector<16xf32>
      %sub3A = arith.subf %max3A, %get3A_10 : vector<16xf32>
      %exp3A = math.exp %sub3A : vector<16xf32>
      %gather3A_34 = tpu.vector_load_idx %arg12[%get3A_25] : memref<10000xf32, #tpu.memory_space<vmem>>[vector<16xi32>], vector<16xf32>,
      %gather3A_35 = tpu.vector_load_idx %arg13[%get3A_25] : memref<10000xf32, #tpu.memory_space<vmem>>[vector<16xi32>], vector<16xf32>,
      %swap3A = arith.constant 0 : index
      %swap3A_36 = tpu.vector_load %arg16[%swap3A] {strides = array<i32>} : memref<80xf32, #tpu.memory_space<vmem>>, vector<16xf32>,
      tpu.vector_store %arg16[%swap3A], %exp3A {strides = array<i32>} : memref<80xf32, #tpu.memory_space<vmem>>, vector<16xf32>,
      %mul3A_37 = arith.mulf %exp3A, %gather3A_34 : vector<16xf32>
      %swap3A_38 = arith.constant 0 : index
      %swap3A_39 = tpu.vector_load %arg17[%swap3A_38] {strides = array<i32>} : memref<80xf32, #tpu.memory_space<vmem>>, vector<16xf32>,
      tpu.vector_store %arg17[%swap3A_38], %mul3A_37 {strides = array<i32>} : memref<80xf32, #tpu.memory_space<vmem>>, vector<16xf32>,
      %mul3A_40 = arith.mulf %exp3A, %gather3A_35 : vector<16xf32>
      %swap3A_41 = arith.constant 0 : index
      %swap3A_42 = tpu.vector_load %arg18[%swap3A_41] {strides = array<i32>} : memref<80xf32, #tpu.memory_space<vmem>>, vector<16xf32>,
      tpu.vector_store %arg18[%swap3A_41], %mul3A_40 {strides = array<i32>} : memref<80xf32, #tpu.memory_space<vmem>>, vector<16xf32>,
      %get3A_43 = arith.index_cast %scan3A_22 : i32 to index
      %get3A_44 = arith.constant 16 : index
      %get3A_45 = tpu.vector_load %arg14[%get3A_43, %get3A_44] {strides = array<i32>} : memref<125x80xi32, #tpu.memory_space<vmem>>, vector<16xi32>,
      %get3A_46 = arith.index_cast %scan3A_22 : i32 to index
      %get3A_47 = arith.constant 16 : index
      %get3A_48 = tpu.vector_load %arg15[%get3A_46, %get3A_47] {strides = array<i32>} : memref<125x80xi32, #tpu.memory_space<vmem>>, vector<16xi32>,
      %gather3A_49 = tpu.vector_load_idx %arg10[%get3A_45] : memref<10000xf32, #tpu.memory_space<vmem>>[vector<16xi32>], vector<16xf32>,
      %gather3A_50 = tpu.vector_load_idx %arg11[%get3A_48] : memref<10000xf32, #tpu.memory_space<vmem>>[vector<16xi32>], vector<16xf32>,
      %add3A_51 = arith.addf %gather3A_49, %gather3A_50 : vector<16xf32>
      %mul3A_52 = arith.constant 2.000000e-01 : f32
      %mul3A_53 = vector.broadcast %mul3A_52 : f32 to vector<16xf32>
      %mul3A_54 = arith.mulf %mul3A_53, %add3A_51 : vector<16xf32>
      %max3A_55 = arith.maximumf %add3A_51, %mul3A_54 : vector<16xf32>
      %sub3A_56 = arith.subf %max3A_55, %get3A_10 : vector<16xf32>
      %exp3A_57 = math.exp %sub3A_56 : vector<16xf32>
      %gather3A_58 = tpu.vector_load_idx %arg12[%get3A_45] : memref<10000xf32, #tpu.memory_space<vmem>>[vector<16xi32>], vector<16xf32>,
      %gather3A_59 = tpu.vector_load_idx %arg13[%get3A_45] : memref<10000xf32, #tpu.memory_space<vmem>>[vector<16xi32>], vector<16xf32>,
      %swap3A_60 = arith.constant 16 : index
      %swap3A_61 = tpu.vector_load %arg16[%swap3A_60] {strides = array<i32>} : memref<80xf32, #tpu.memory_space<vmem>>, vector<16xf32>,
      tpu.vector_store %arg16[%swap3A_60], %exp3A_57 {strides = array<i32>} : memref<80xf32, #tpu.memory_space<vmem>>, vector<16xf32>,
      %mul3A_62 = arith.mulf %exp3A_57, %gather3A_58 : vector<16xf32>
      %swap3A_63 = arith.constant 16 : index
      %swap3A_64 = tpu.vector_load %arg17[%swap3A_63] {strides = array<i32>} : memref<80xf32, #tpu.memory_space<vmem>>, vector<16xf32>,
      tpu.vector_store %arg17[%swap3A_63], %mul3A_62 {strides = array<i32>} : memref<80xf32, #tpu.memory_space<vmem>>, vector<16xf32>,
      %mul3A_65 = arith.mulf %exp3A_57, %gather3A_59 : vector<16xf32>
      %swap3A_66 = arith.constant 16 : index
      %swap3A_67 = tpu.vector_load %arg18[%swap3A_66] {strides = array<i32>} : memref<80xf32, #tpu.memory_space<vmem>>, vector<16xf32>,
      tpu.vector_store %arg18[%swap3A_66], %mul3A_65 {strides = array<i32>} : memref<80xf32, #tpu.memory_space<vmem>>, vector<16xf32>,
      %get3A_68 = arith.index_cast %scan3A_22 : i32 to index
      %get3A_69 = arith.constant 32 : index
      %get3A_70 = tpu.vector_load %arg14[%get3A_68, %get3A_69] {strides = array<i32>} : memref<125x80xi32, #tpu.memory_space<vmem>>, vector<16xi32>,
      %get3A_71 = arith.index_cast %scan3A_22 : i32 to index
      %get3A_72 = arith.constant 32 : index
      %get3A_73 = tpu.vector_load %arg15[%get3A_71, %get3A_72] {strides = array<i32>} : memref<125x80xi32, #tpu.memory_space<vmem>>, vector<16xi32>,
      %gather3A_74 = tpu.vector_load_idx %arg10[%get3A_70] : memref<10000xf32, #tpu.memory_space<vmem>>[vector<16xi32>], vector<16xf32>,
      %gather3A_75 = tpu.vector_load_idx %arg11[%get3A_73] : memref<10000xf32, #tpu.memory_space<vmem>>[vector<16xi32>], vector<16xf32>,
      %add3A_76 = arith.addf %gather3A_74, %gather3A_75 : vector<16xf32>
      %mul3A_77 = arith.constant 2.000000e-01 : f32
      %mul3A_78 = vector.broadcast %mul3A_77 : f32 to vector<16xf32>
      %mul3A_79 = arith.mulf %mul3A_78, %add3A_76 : vector<16xf32>
      %max3A_80 = arith.maximumf %add3A_76, %mul3A_79 : vector<16xf32>
      %sub3A_81 = arith.subf %max3A_80, %get3A_10 : vector<16xf32>
      %exp3A_82 = math.exp %sub3A_81 : vector<16xf32>
      %gather3A_83 = tpu.vector_load_idx %arg12[%get3A_70] : memref<10000xf32, #tpu.memory_space<vmem>>[vector<16xi32>], vector<16xf32>,
      %gather3A_84 = tpu.vector_load_idx %arg13[%get3A_70] : memref<10000xf32, #tpu.memory_space<vmem>>[vector<16xi32>], vector<16xf32>,
      %swap3A_85 = arith.constant 32 : index
      %swap3A_86 = tpu.vector_load %arg16[%swap3A_85] {strides = array<i32>} : memref<80xf32, #tpu.memory_space<vmem>>, vector<16xf32>,
      tpu.vector_store %arg16[%swap3A_85], %exp3A_82 {strides = array<i32>} : memref<80xf32, #tpu.memory_space<vmem>>, vector<16xf32>,
      %mul3A_87 = arith.mulf %exp3A_82, %gather3A_83 : vector<16xf32>
      %swap3A_88 = arith.constant 32 : index
      %swap3A_89 = tpu.vector_load %arg17[%swap3A_88] {strides = array<i32>} : memref<80xf32, #tpu.memory_space<vmem>>, vector<16xf32>,
      tpu.vector_store %arg17[%swap3A_88], %mul3A_87 {strides = array<i32>} : memref<80xf32, #tpu.memory_space<vmem>>, vector<16xf32>,
      %mul3A_90 = arith.mulf %exp3A_82, %gather3A_84 : vector<16xf32>
      %swap3A_91 = arith.constant 32 : index
      %swap3A_92 = tpu.vector_load %arg18[%swap3A_91] {strides = array<i32>} : memref<80xf32, #tpu.memory_space<vmem>>, vector<16xf32>,
      tpu.vector_store %arg18[%swap3A_91], %mul3A_90 {strides = array<i32>} : memref<80xf32, #tpu.memory_space<vmem>>, vector<16xf32>,
      %get3A_93 = arith.index_cast %scan3A_22 : i32 to index
      %get3A_94 = arith.constant 48 : index
      %get3A_95 = tpu.vector_load %arg14[%get3A_93, %get3A_94] {strides = array<i32>} : memref<125x80xi32, #tpu.memory_space<vmem>>, vector<16xi32>,
      %get3A_96 = arith.index_cast %scan3A_22 : i32 to index
      %get3A_97 = arith.constant 48 : index
      %get3A_98 = tpu.vector_load %arg15[%get3A_96, %get3A_97] {strides = array<i32>} : memref<125x80xi32, #tpu.memory_space<vmem>>, vector<16xi32>,
      %gather3A_99 = tpu.vector_load_idx %arg10[%get3A_95] : memref<10000xf32, #tpu.memory_space<vmem>>[vector<16xi32>], vector<16xf32>,
      %gather3A_100 = tpu.vector_load_idx %arg11[%get3A_98] : memref<10000xf32, #tpu.memory_space<vmem>>[vector<16xi32>], vector<16xf32>,
      %add3A_101 = arith.addf %gather3A_99, %gather3A_100 : vector<16xf32>
      %mul3A_102 = arith.constant 2.000000e-01 : f32
      %mul3A_103 = vector.broadcast %mul3A_102 : f32 to vector<16xf32>
      %mul3A_104 = arith.mulf %mul3A_103, %add3A_101 : vector<16xf32>
      %max3A_105 = arith.maximumf %add3A_101, %mul3A_104 : vector<16xf32>
      %sub3A_106 = arith.subf %max3A_105, %get3A_10 : vector<16xf32>
      %exp3A_107 = math.exp %sub3A_106 : vector<16xf32>
      %gather3A_108 = tpu.vector_load_idx %arg12[%get3A_95] : memref<10000xf32, #tpu.memory_space<vmem>>[vector<16xi32>], vector<16xf32>,
      %gather3A_109 = tpu.vector_load_idx %arg13[%get3A_95] : memref<10000xf32, #tpu.memory_space<vmem>>[vector<16xi32>], vector<16xf32>,
      %swap3A_110 = arith.constant 48 : index
      %swap3A_111 = tpu.vector_load %arg16[%swap3A_110] {strides = array<i32>} : memref<80xf32, #tpu.memory_space<vmem>>, vector<16xf32>,
      tpu.vector_store %arg16[%swap3A_110], %exp3A_107 {strides = array<i32>} : memref<80xf32, #tpu.memory_space<vmem>>, vector<16xf32>,
      %mul3A_112 = arith.mulf %exp3A_107, %gather3A_108 : vector<16xf32>
      %swap3A_113 = arith.constant 48 : index
      %swap3A_114 = tpu.vector_load %arg17[%swap3A_113] {strides = array<i32>} : memref<80xf32, #tpu.memory_space<vmem>>, vector<16xf32>,
      tpu.vector_store %arg17[%swap3A_113], %mul3A_112 {strides = array<i32>} : memref<80xf32, #tpu.memory_space<vmem>>, vector<16xf32>,
      %mul3A_115 = arith.mulf %exp3A_107, %gather3A_109 : vector<16xf32>
      %swap3A_116 = arith.constant 48 : index
      %swap3A_117 = tpu.vector_load %arg18[%swap3A_116] {strides = array<i32>} : memref<80xf32, #tpu.memory_space<vmem>>, vector<16xf32>,
      tpu.vector_store %arg18[%swap3A_116], %mul3A_115 {strides = array<i32>} : memref<80xf32, #tpu.memory_space<vmem>>, vector<16xf32>,
      %get3A_118 = arith.index_cast %scan3A_22 : i32 to index
      %get3A_119 = arith.constant 64 : index
      %get3A_120 = tpu.vector_load %arg14[%get3A_118, %get3A_119] {strides = array<i32>} : memref<125x80xi32, #tpu.memory_space<vmem>>, vector<16xi32>,
      %get3A_121 = arith.index_cast %scan3A_22 : i32 to index
      %get3A_122 = arith.constant 64 : index
      %get3A_123 = tpu.vector_load %arg15[%get3A_121, %get3A_122] {strides = array<i32>} : memref<125x80xi32, #tpu.memory_space<vmem>>, vector<16xi32>,
      %gather3A_124 = tpu.vector_load_idx %arg10[%get3A_120] : memref<10000xf32, #tpu.memory_space<vmem>>[vector<16xi32>], vector<16xf32>,
      %gather3A_125 = tpu.vector_load_idx %arg11[%get3A_123] : memref<10000xf32, #tpu.memory_space<vmem>>[vector<16xi32>], vector<16xf32>,
      %add3A_126 = arith.addf %gather3A_124, %gather3A_125 : vector<16xf32>
      %mul3A_127 = arith.constant 2.000000e-01 : f32
      %mul3A_128 = vector.broadcast %mul3A_127 : f32 to vector<16xf32>
      %mul3A_129 = arith.mulf %mul3A_128, %add3A_126 : vector<16xf32>
      %max3A_130 = arith.maximumf %add3A_126, %mul3A_129 : vector<16xf32>
      %sub3A_131 = arith.subf %max3A_130, %get3A_10 : vector<16xf32>
      %exp3A_132 = math.exp %sub3A_131 : vector<16xf32>
      %gather3A_133 = tpu.vector_load_idx %arg12[%get3A_120] : memref<10000xf32, #tpu.memory_space<vmem>>[vector<16xi32>], vector<16xf32>,
      %gather3A_134 = tpu.vector_load_idx %arg13[%get3A_120] : memref<10000xf32, #tpu.memory_space<vmem>>[vector<16xi32>], vector<16xf32>,
      %swap3A_135 = arith.constant 64 : index
      %swap3A_136 = tpu.vector_load %arg16[%swap3A_135] {strides = array<i32>} : memref<80xf32, #tpu.memory_space<vmem>>, vector<16xf32>,
      tpu.vector_store %arg16[%swap3A_135], %exp3A_132 {strides = array<i32>} : memref<80xf32, #tpu.memory_space<vmem>>, vector<16xf32>,
      %mul3A_137 = arith.mulf %exp3A_132, %gather3A_133 : vector<16xf32>
      %swap3A_138 = arith.constant 64 : index
      %swap3A_139 = tpu.vector_load %arg17[%swap3A_138] {strides = array<i32>} : memref<80xf32, #tpu.memory_space<vmem>>, vector<16xf32>,
      tpu.vector_store %arg17[%swap3A_138], %mul3A_137 {strides = array<i32>} : memref<80xf32, #tpu.memory_space<vmem>>, vector<16xf32>,
      %mul3A_140 = arith.mulf %exp3A_132, %gather3A_134 : vector<16xf32>
      %swap3A_141 = arith.constant 64 : index
      %swap3A_142 = tpu.vector_load %arg18[%swap3A_141] {strides = array<i32>} : memref<80xf32, #tpu.memory_space<vmem>>, vector<16xf32>,
      tpu.vector_store %arg18[%swap3A_141], %mul3A_140 {strides = array<i32>} : memref<80xf32, #tpu.memory_space<vmem>>, vector<16xf32>,
      "tpu.region"() ({
        %run_scoped3A_143 = tpu.sem_alloc : memref<!tpu.dma_semaphore, #tpu.memory_space<semaphore_mem>>
        %dma_start3A = arith.constant 0 : i32
        %dma_start3A_144 = tpu.memref_slice %arg15[%scan3A_22, %dma_start3A] : memref<125x80xi32, #tpu.memory_space<vmem>> -> memref<1x80xi32, #tpu.memory_space<vmem>>
        %dma_start3A_145 = tpu.memref_squeeze %dma_start3A_144 : memref<1x80xi32, #tpu.memory_space<vmem>> -> memref<80xi32, #tpu.memory_space<vmem>>
        %dma_start3A_146 = arith.constant 0 : i32
        %dma_start3A_147 = tpu.memref_slice %arg20[%dma_start3A_146] : memref<10000xf32, #tpu.memory_space<vmem_shared>> -> memref<10000xf32, #tpu.memory_space<vmem_shared>>
        tpu.enqueue_indirect_dma source(%arg16 : memref<80xf32, #tpu.memory_space<vmem>>) target(%dma_start3A_147 : memref<10000xf32, #tpu.memory_space<vmem_shared>>) offsets(%dma_start3A_145 : memref<80xi32, #tpu.memory_space<vmem>>) semaphore(%run_scoped3A_143 : memref<!tpu.dma_semaphore, #tpu.memory_space<semaphore_mem>>) {add = true}
        %dma_wait3A = arith.constant 0 : i32
        %dma_wait3A_148 = tpu.memref_slice %arg15[%scan3A_22, %dma_wait3A] : memref<125x80xi32, #tpu.memory_space<vmem>> -> memref<1x80xi32, #tpu.memory_space<vmem>>
        %dma_wait3A_149 = tpu.memref_squeeze %dma_wait3A_148 : memref<1x80xi32, #tpu.memory_space<vmem>> -> memref<80xi32, #tpu.memory_space<vmem>>
        %dma_wait3A_150 = arith.constant 0 : i32
        %dma_wait3A_151 = tpu.memref_slice %arg20[%dma_wait3A_150] : memref<10000xf32, #tpu.memory_space<vmem_shared>> -> memref<10000xf32, #tpu.memory_space<vmem_shared>>
        tpu.wait_indirect_dma semaphore(%run_scoped3A_143 : memref<!tpu.dma_semaphore, #tpu.memory_space<semaphore_mem>>) src(%arg16 : memref<80xf32, #tpu.memory_space<vmem>>) dst(%dma_wait3A_151 : memref<10000xf32, #tpu.memory_space<vmem_shared>>)
        tpu.yield
      }) : () -> ()
      "tpu.region"() ({
        %run_scoped3A_143 = tpu.sem_alloc : memref<!tpu.dma_semaphore, #tpu.memory_space<semaphore_mem>>
        %dma_start3A = arith.constant 0 : i32
        %dma_start3A_144 = tpu.memref_slice %arg15[%scan3A_22, %dma_start3A] : memref<125x80xi32, #tpu.memory_space<vmem>> -> memref<1x80xi32, #tpu.memory_space<vmem>>
        %dma_start3A_145 = tpu.memref_squeeze %dma_start3A_144 : memref<1x80xi32, #tpu.memory_space<vmem>> -> memref<80xi32, #tpu.memory_space<vmem>>
        %dma_start3A_146 = arith.constant 0 : i32
        %dma_start3A_147 = tpu.memref_slice %arg21[%dma_start3A_146] : memref<10000xf32, #tpu.memory_space<vmem_shared>> -> memref<10000xf32, #tpu.memory_space<vmem_shared>>
        tpu.enqueue_indirect_dma source(%arg17 : memref<80xf32, #tpu.memory_space<vmem>>) target(%dma_start3A_147 : memref<10000xf32, #tpu.memory_space<vmem_shared>>) offsets(%dma_start3A_145 : memref<80xi32, #tpu.memory_space<vmem>>) semaphore(%run_scoped3A_143 : memref<!tpu.dma_semaphore, #tpu.memory_space<semaphore_mem>>) {add = true}
        %dma_wait3A = arith.constant 0 : i32
        %dma_wait3A_148 = tpu.memref_slice %arg15[%scan3A_22, %dma_wait3A] : memref<125x80xi32, #tpu.memory_space<vmem>> -> memref<1x80xi32, #tpu.memory_space<vmem>>
        %dma_wait3A_149 = tpu.memref_squeeze %dma_wait3A_148 : memref<1x80xi32, #tpu.memory_space<vmem>> -> memref<80xi32, #tpu.memory_space<vmem>>
        %dma_wait3A_150 = arith.constant 0 : i32
        %dma_wait3A_151 = tpu.memref_slice %arg21[%dma_wait3A_150] : memref<10000xf32, #tpu.memory_space<vmem_shared>> -> memref<10000xf32, #tpu.memory_space<vmem_shared>>
        tpu.wait_indirect_dma semaphore(%run_scoped3A_143 : memref<!tpu.dma_semaphore, #tpu.memory_space<semaphore_mem>>) src(%arg17 : memref<80xf32, #tpu.memory_space<vmem>>) dst(%dma_wait3A_151 : memref<10000xf32, #tpu.memory_space<vmem_shared>>)
        tpu.yield
      }) : () -> ()
      "tpu.region"() ({
        %run_scoped3A_143 = tpu.sem_alloc : memref<!tpu.dma_semaphore, #tpu.memory_space<semaphore_mem>>
        %dma_start3A = arith.constant 0 : i32
        %dma_start3A_144 = tpu.memref_slice %arg15[%scan3A_22, %dma_start3A] : memref<125x80xi32, #tpu.memory_space<vmem>> -> memref<1x80xi32, #tpu.memory_space<vmem>>
        %dma_start3A_145 = tpu.memref_squeeze %dma_start3A_144 : memref<1x80xi32, #tpu.memory_space<vmem>> -> memref<80xi32, #tpu.memory_space<vmem>>
        %dma_start3A_146 = arith.constant 0 : i32
        %dma_start3A_147 = tpu.memref_slice %arg22[%dma_start3A_146] : memref<10000xf32, #tpu.memory_space<vmem_shared>> -> memref<10000xf32, #tpu.memory_space<vmem_shared>>
        tpu.enqueue_indirect_dma source(%arg18 : memref<80xf32, #tpu.memory_space<vmem>>) target(%dma_start3A_147 : memref<10000xf32, #tpu.memory_space<vmem_shared>>) offsets(%dma_start3A_145 : memref<80xi32, #tpu.memory_space<vmem>>) semaphore(%run_scoped3A_143 : memref<!tpu.dma_semaphore, #tpu.memory_space<semaphore_mem>>) {add = true}
        %dma_wait3A = arith.constant 0 : i32
        %dma_wait3A_148 = tpu.memref_slice %arg15[%scan3A_22, %dma_wait3A] : memref<125x80xi32, #tpu.memory_space<vmem>> -> memref<1x80xi32, #tpu.memory_space<vmem>>
        %dma_wait3A_149 = tpu.memref_squeeze %dma_wait3A_148 : memref<1x80xi32, #tpu.memory_space<vmem>> -> memref<80xi32, #tpu.memory_space<vmem>>
        %dma_wait3A_150 = arith.constant 0 : i32
        %dma_wait3A_151 = tpu.memref_slice %arg22[%dma_wait3A_150] : memref<10000xf32, #tpu.memory_space<vmem_shared>> -> memref<10000xf32, #tpu.memory_space<vmem_shared>>
        tpu.wait_indirect_dma semaphore(%run_scoped3A_143 : memref<!tpu.dma_semaphore, #tpu.memory_space<semaphore_mem>>) src(%arg18 : memref<80xf32, #tpu.memory_space<vmem>>) dst(%dma_wait3A_151 : memref<10000xf32, #tpu.memory_space<vmem_shared>>)
        tpu.yield
      }) : () -> ()
    }
    %scan3A_15 = arith.constant 125 : i32
    %barrier3A_16 = arith.constant 0 : index
    tpu.barrier barrier_id(%barrier3A_16)
    %eq3A_17 = arith.constant 0 : i32
    %eq3A_18 = arith.cmpi eq, %arg1, %eq3A_17 : i32
    %convert_element_type3A_19 = arith.extui %eq3A_18 : i1 to i32
    %cond3A_20 = arith.constant 0 : i32
    %cond3A_21 = arith.cmpi ne, %convert_element_type3A_19, %cond3A_20 : i32
    scf.if %cond3A_21 {
      %run_scoped3A_22 = arith.constant 0 : i32
      "tpu.region"() ({
        %run_scoped3A_25 = tpu.sem_alloc : memref<!tpu.dma_semaphore, #tpu.memory_space<semaphore_mem>>
        %dma_start3A = arith.constant 0 : i32
        %dma_start3A_26 = tpu.memref_slice %arg7[%arg0, %run_scoped3A_22, %dma_start3A] : memref<2x1x10000xf32, #tpu.memory_space<hbm>> -> memref<1x1x10000xf32, #tpu.memory_space<hbm>>
        %dma_start3A_27 = tpu.memref_squeeze %dma_start3A_26 : memref<1x1x10000xf32, #tpu.memory_space<hbm>> -> memref<10000xf32, #tpu.memory_space<hbm>>
        tpu.enqueue_dma source(%arg20 : memref<10000xf32, #tpu.memory_space<vmem_shared>>) target(%dma_start3A_27 : memref<10000xf32, #tpu.memory_space<hbm>>) target_semaphore(%run_scoped3A_25 : memref<!tpu.dma_semaphore, #tpu.memory_space<semaphore_mem>>)
        %dma_wait3A = arith.constant 0 : i32
        %dma_wait3A_28 = tpu.memref_slice %arg7[%arg0, %run_scoped3A_22, %dma_wait3A] : memref<2x1x10000xf32, #tpu.memory_space<hbm>> -> memref<1x1x10000xf32, #tpu.memory_space<hbm>>
        %dma_wait3A_29 = tpu.memref_squeeze %dma_wait3A_28 : memref<1x1x10000xf32, #tpu.memory_space<hbm>> -> memref<10000xf32, #tpu.memory_space<hbm>>
        tpu.wait_dma2 semaphore(%run_scoped3A_25 : memref<!tpu.dma_semaphore, #tpu.memory_space<semaphore_mem>>) src(%arg20 : memref<10000xf32, #tpu.memory_space<vmem_shared>>) dst(%dma_wait3A_29 : memref<10000xf32, #tpu.memory_space<hbm>>)
        tpu.yield
      }) : () -> ()
      %run_scoped3A_23 = arith.constant 0 : i32
      "tpu.region"() ({
        %run_scoped3A_25 = tpu.sem_alloc : memref<!tpu.dma_semaphore, #tpu.memory_space<semaphore_mem>>
        %dma_start3A = arith.constant 0 : i32
        %dma_start3A_26 = tpu.memref_slice %arg8[%arg0, %run_scoped3A_23, %dma_start3A] : memref<2x1x10000xf32, #tpu.memory_space<hbm>> -> memref<1x1x10000xf32, #tpu.memory_space<hbm>>
        %dma_start3A_27 = tpu.memref_squeeze %dma_start3A_26 : memref<1x1x10000xf32, #tpu.memory_space<hbm>> -> memref<10000xf32, #tpu.memory_space<hbm>>
        tpu.enqueue_dma source(%arg21 : memref<10000xf32, #tpu.memory_space<vmem_shared>>) target(%dma_start3A_27 : memref<10000xf32, #tpu.memory_space<hbm>>) target_semaphore(%run_scoped3A_25 : memref<!tpu.dma_semaphore, #tpu.memory_space<semaphore_mem>>)
        %dma_wait3A = arith.constant 0 : i32
        %dma_wait3A_28 = tpu.memref_slice %arg8[%arg0, %run_scoped3A_23, %dma_wait3A] : memref<2x1x10000xf32, #tpu.memory_space<hbm>> -> memref<1x1x10000xf32, #tpu.memory_space<hbm>>
        %dma_wait3A_29 = tpu.memref_squeeze %dma_wait3A_28 : memref<1x1x10000xf32, #tpu.memory_space<hbm>> -> memref<10000xf32, #tpu.memory_space<hbm>>
        tpu.wait_dma2 semaphore(%run_scoped3A_25 : memref<!tpu.dma_semaphore, #tpu.memory_space<semaphore_mem>>) src(%arg21 : memref<10000xf32, #tpu.memory_space<vmem_shared>>) dst(%dma_wait3A_29 : memref<10000xf32, #tpu.memory_space<hbm>>)
        tpu.yield
      }) : () -> ()
      %run_scoped3A_24 = arith.constant 0 : i32
      "tpu.region"() ({
        %run_scoped3A_25 = tpu.sem_alloc : memref<!tpu.dma_semaphore, #tpu.memory_space<semaphore_mem>>
        %dma_start3A = arith.constant 0 : i32
        %dma_start3A_26 = tpu.memref_slice %arg9[%arg0, %run_scoped3A_24, %dma_start3A] : memref<2x1x10000xf32, #tpu.memory_space<hbm>> -> memref<1x1x10000xf32, #tpu.memory_space<hbm>>
        %dma_start3A_27 = tpu.memref_squeeze %dma_start3A_26 : memref<1x1x10000xf32, #tpu.memory_space<hbm>> -> memref<10000xf32, #tpu.memory_space<hbm>>
        tpu.enqueue_dma source(%arg22 : memref<10000xf32, #tpu.memory_space<vmem_shared>>) target(%dma_start3A_27 : memref<10000xf32, #tpu.memory_space<hbm>>) target_semaphore(%run_scoped3A_25 : memref<!tpu.dma_semaphore, #tpu.memory_space<semaphore_mem>>)
        %dma_wait3A = arith.constant 0 : i32
        %dma_wait3A_28 = tpu.memref_slice %arg9[%arg0, %run_scoped3A_24, %dma_wait3A] : memref<2x1x10000xf32, #tpu.memory_space<hbm>> -> memref<1x1x10000xf32, #tpu.memory_space<hbm>>
        %dma_wait3A_29 = tpu.memref_squeeze %dma_wait3A_28 : memref<1x1x10000xf32, #tpu.memory_space<hbm>> -> memref<10000xf32, #tpu.memory_space<hbm>>
        tpu.wait_dma2 semaphore(%run_scoped3A_25 : memref<!tpu.dma_semaphore, #tpu.memory_space<semaphore_mem>>) src(%arg22 : memref<10000xf32, #tpu.memory_space<vmem_shared>>) dst(%dma_wait3A_29 : memref<10000xf32, #tpu.memory_space<hbm>>)
        tpu.yield
      }) : () -> ()
    } else {
    }
    return
  }
}

#map = affine_map<(d0, d1) -> (0, 0)>
#map1 = affine_map<(d0, d1) -> (0, 0, 0)>
#map2 = affine_map<(d0, d1) -> (0)>
module attributes {stable_mosaic.version = 14 : i64} {
  func.func @seg_kernel(%arg0: i32, %arg1: i32, %arg2: memref<10000x128xf32, #tpu.memory_space<hbm>>, %arg3: memref<32x125x80xi32, #tpu.memory_space<hbm>>, %arg4: memref<32x125x80xi32, #tpu.memory_space<hbm>>, %arg5: memref<10000x128xf32, #tpu.memory_space<hbm>>, %arg6: memref<10000xf32, #tpu.memory_space<hbm>>, %arg7: memref<2x10000x128xf32, #tpu.memory_space<hbm>>, %arg8: memref<2x1x10000xf32, #tpu.memory_space<hbm>>, %arg9: memref<125x80xi32, #tpu.memory_space<vmem>>, %arg10: memref<125x80xi32, #tpu.memory_space<vmem>>, %arg11: memref<80x128xf32, #tpu.memory_space<vmem>>, %arg12: memref<80xf32, #tpu.memory_space<vmem>>, %arg13: memref<10000x128xf32, #tpu.memory_space<vmem_shared>>, %arg14: memref<10000xf32, #tpu.memory_space<vmem_shared>>, %arg15: memref<!tpu.dma_semaphore, #tpu.memory_space<semaphore_mem>>) attributes {dimension_semantics = [#tpu.dimension_semantics<core_parallel>, #tpu.dimension_semantics<subcore_parallel>], iteration_bounds = array<i64: 2, 16>, scalar_prefetch = 0 : i64, scratch_operands = 7 : i64, tpu.core_type = #tpu.core_type<sc_vector_subcore>, window_params = [{transform_indices = #map}, {transform_indices = #map1}, {transform_indices = #map1}, {transform_indices = #map}, {transform_indices = #map2}, {transform_indices = #map1}, {transform_indices = #map1}]} {
    %mul3A = arith.constant 2 : i32
    %mul3A_0 = arith.muli %arg1, %mul3A : i32
    %add3A = arith.addi %mul3A_0, %arg0 : i32
    %mul3A_1 = arith.constant 624 : i32
    %mul3A_2 = arith.muli %arg1, %mul3A_1 : i32
    %mul3A_3 = arith.constant 624 : i32
    %mul3A_4 = arith.muli %arg1, %mul3A_3 : i32
    "tpu.region"() ({
      %run_scoped3A = tpu.sem_alloc : memref<!tpu.dma_semaphore, #tpu.memory_space<semaphore_mem>>
      %dma_start3A = arith.constant 0 : i32
      %dma_start3A_22 = tpu.memref_slice %arg13[%mul3A_4, %dma_start3A] : memref<10000x128xf32, #tpu.memory_space<vmem_shared>> -> memref<624x128xf32, #tpu.memory_space<vmem_shared>>
      %dma_start3A_23 = arith.constant 0 : i32
      %dma_start3A_24 = tpu.memref_slice %arg5[%mul3A_2, %dma_start3A_23] : memref<10000x128xf32, #tpu.memory_space<hbm>> -> memref<624x128xf32, #tpu.memory_space<hbm>>
      tpu.enqueue_dma source(%dma_start3A_24 : memref<624x128xf32, #tpu.memory_space<hbm>>) target(%dma_start3A_22 : memref<624x128xf32, #tpu.memory_space<vmem_shared>>) target_semaphore(%run_scoped3A : memref<!tpu.dma_semaphore, #tpu.memory_space<semaphore_mem>>)
      %dma_wait3A = arith.constant 0 : i32
      %dma_wait3A_25 = tpu.memref_slice %arg13[%mul3A_4, %dma_wait3A] : memref<10000x128xf32, #tpu.memory_space<vmem_shared>> -> memref<624x128xf32, #tpu.memory_space<vmem_shared>>
      %dma_wait3A_26 = arith.constant 0 : i32
      %dma_wait3A_27 = tpu.memref_slice %arg5[%mul3A_2, %dma_wait3A_26] : memref<10000x128xf32, #tpu.memory_space<hbm>> -> memref<624x128xf32, #tpu.memory_space<hbm>>
      tpu.wait_dma2 semaphore(%run_scoped3A : memref<!tpu.dma_semaphore, #tpu.memory_space<semaphore_mem>>) src(%dma_wait3A_27 : memref<624x128xf32, #tpu.memory_space<hbm>>) dst(%dma_wait3A_25 : memref<624x128xf32, #tpu.memory_space<vmem_shared>>)
      tpu.yield
    }) : () -> ()
    %eq3A = arith.constant 0 : i32
    %eq3A_5 = arith.cmpi eq, %arg1, %eq3A : i32
    %convert_element_type3A = arith.extui %eq3A_5 : i1 to i32
    %cond3A = arith.constant 0 : i32
    %cond3A_6 = arith.cmpi ne, %convert_element_type3A, %cond3A : i32
    scf.if %cond3A_6 {
      "tpu.region"() ({
        %run_scoped3A = tpu.sem_alloc : memref<!tpu.dma_semaphore, #tpu.memory_space<semaphore_mem>>
        %dma_start3A = arith.constant 9984 : i32
        %dma_start3A_22 = arith.constant 0 : i32
        %dma_start3A_23 = tpu.memref_slice %arg13[%dma_start3A, %dma_start3A_22] : memref<10000x128xf32, #tpu.memory_space<vmem_shared>> -> memref<16x128xf32, #tpu.memory_space<vmem_shared>>
        %dma_start3A_24 = arith.constant 9984 : i32
        %dma_start3A_25 = arith.constant 0 : i32
        %dma_start3A_26 = tpu.memref_slice %arg5[%dma_start3A_24, %dma_start3A_25] : memref<10000x128xf32, #tpu.memory_space<hbm>> -> memref<16x128xf32, #tpu.memory_space<hbm>>
        tpu.enqueue_dma source(%dma_start3A_26 : memref<16x128xf32, #tpu.memory_space<hbm>>) target(%dma_start3A_23 : memref<16x128xf32, #tpu.memory_space<vmem_shared>>) target_semaphore(%run_scoped3A : memref<!tpu.dma_semaphore, #tpu.memory_space<semaphore_mem>>)
        %dma_wait3A = arith.constant 9984 : i32
        %dma_wait3A_27 = arith.constant 0 : i32
        %dma_wait3A_28 = tpu.memref_slice %arg13[%dma_wait3A, %dma_wait3A_27] : memref<10000x128xf32, #tpu.memory_space<vmem_shared>> -> memref<16x128xf32, #tpu.memory_space<vmem_shared>>
        %dma_wait3A_29 = arith.constant 9984 : i32
        %dma_wait3A_30 = arith.constant 0 : i32
        %dma_wait3A_31 = tpu.memref_slice %arg5[%dma_wait3A_29, %dma_wait3A_30] : memref<10000x128xf32, #tpu.memory_space<hbm>> -> memref<16x128xf32, #tpu.memory_space<hbm>>
        tpu.wait_dma2 semaphore(%run_scoped3A : memref<!tpu.dma_semaphore, #tpu.memory_space<semaphore_mem>>) src(%dma_wait3A_31 : memref<16x128xf32, #tpu.memory_space<hbm>>) dst(%dma_wait3A_28 : memref<16x128xf32, #tpu.memory_space<vmem_shared>>)
        tpu.yield
      }) : () -> ()
    } else {
    }
    "tpu.region"() ({
      %run_scoped3A = tpu.sem_alloc : memref<!tpu.dma_semaphore, #tpu.memory_space<semaphore_mem>>
      %dma_start3A = arith.constant 0 : i32
      %dma_start3A_22 = arith.constant 0 : i32
      %dma_start3A_23 = tpu.memref_slice %arg3[%add3A, %dma_start3A, %dma_start3A_22] : memref<32x125x80xi32, #tpu.memory_space<hbm>> -> memref<1x125x80xi32, #tpu.memory_space<hbm>>
      %dma_start3A_24 = tpu.memref_squeeze %dma_start3A_23 : memref<1x125x80xi32, #tpu.memory_space<hbm>> -> memref<125x80xi32, #tpu.memory_space<hbm>>
      %dma_start3A_25 = arith.constant 0 : i32
      %dma_start3A_26 = arith.constant 0 : i32
      %dma_start3A_27 = tpu.memref_slice %arg3[%add3A, %dma_start3A_25, %dma_start3A_26] : memref<32x125x80xi32, #tpu.memory_space<hbm>> -> memref<1x125x80xi32, #tpu.memory_space<hbm>>
      %dma_start3A_28 = tpu.memref_squeeze %dma_start3A_27 : memref<1x125x80xi32, #tpu.memory_space<hbm>> -> memref<125x80xi32, #tpu.memory_space<hbm>>
      tpu.enqueue_dma source(%dma_start3A_28 : memref<125x80xi32, #tpu.memory_space<hbm>>) target(%arg9 : memref<125x80xi32, #tpu.memory_space<vmem>>) target_semaphore(%run_scoped3A : memref<!tpu.dma_semaphore, #tpu.memory_space<semaphore_mem>>)
      %dma_wait3A = arith.constant 0 : i32
      %dma_wait3A_29 = arith.constant 0 : i32
      %dma_wait3A_30 = tpu.memref_slice %arg3[%add3A, %dma_wait3A, %dma_wait3A_29] : memref<32x125x80xi32, #tpu.memory_space<hbm>> -> memref<1x125x80xi32, #tpu.memory_space<hbm>>
      %dma_wait3A_31 = tpu.memref_squeeze %dma_wait3A_30 : memref<1x125x80xi32, #tpu.memory_space<hbm>> -> memref<125x80xi32, #tpu.memory_space<hbm>>
      %dma_wait3A_32 = arith.constant 0 : i32
      %dma_wait3A_33 = arith.constant 0 : i32
      %dma_wait3A_34 = tpu.memref_slice %arg3[%add3A, %dma_wait3A_32, %dma_wait3A_33] : memref<32x125x80xi32, #tpu.memory_space<hbm>> -> memref<1x125x80xi32, #tpu.memory_space<hbm>>
      %dma_wait3A_35 = tpu.memref_squeeze %dma_wait3A_34 : memref<1x125x80xi32, #tpu.memory_space<hbm>> -> memref<125x80xi32, #tpu.memory_space<hbm>>
      tpu.wait_dma2 semaphore(%run_scoped3A : memref<!tpu.dma_semaphore, #tpu.memory_space<semaphore_mem>>) src(%dma_wait3A_35 : memref<125x80xi32, #tpu.memory_space<hbm>>) dst(%arg9 : memref<125x80xi32, #tpu.memory_space<vmem>>)
      tpu.yield
    }) : () -> ()
    "tpu.region"() ({
      %run_scoped3A = tpu.sem_alloc : memref<!tpu.dma_semaphore, #tpu.memory_space<semaphore_mem>>
      %dma_start3A = arith.constant 0 : i32
      %dma_start3A_22 = arith.constant 0 : i32
      %dma_start3A_23 = tpu.memref_slice %arg4[%add3A, %dma_start3A, %dma_start3A_22] : memref<32x125x80xi32, #tpu.memory_space<hbm>> -> memref<1x125x80xi32, #tpu.memory_space<hbm>>
      %dma_start3A_24 = tpu.memref_squeeze %dma_start3A_23 : memref<1x125x80xi32, #tpu.memory_space<hbm>> -> memref<125x80xi32, #tpu.memory_space<hbm>>
      %dma_start3A_25 = arith.constant 0 : i32
      %dma_start3A_26 = arith.constant 0 : i32
      %dma_start3A_27 = tpu.memref_slice %arg4[%add3A, %dma_start3A_25, %dma_start3A_26] : memref<32x125x80xi32, #tpu.memory_space<hbm>> -> memref<1x125x80xi32, #tpu.memory_space<hbm>>
      %dma_start3A_28 = tpu.memref_squeeze %dma_start3A_27 : memref<1x125x80xi32, #tpu.memory_space<hbm>> -> memref<125x80xi32, #tpu.memory_space<hbm>>
      tpu.enqueue_dma source(%dma_start3A_28 : memref<125x80xi32, #tpu.memory_space<hbm>>) target(%arg10 : memref<125x80xi32, #tpu.memory_space<vmem>>) target_semaphore(%run_scoped3A : memref<!tpu.dma_semaphore, #tpu.memory_space<semaphore_mem>>)
      %dma_wait3A = arith.constant 0 : i32
      %dma_wait3A_29 = arith.constant 0 : i32
      %dma_wait3A_30 = tpu.memref_slice %arg4[%add3A, %dma_wait3A, %dma_wait3A_29] : memref<32x125x80xi32, #tpu.memory_space<hbm>> -> memref<1x125x80xi32, #tpu.memory_space<hbm>>
      %dma_wait3A_31 = tpu.memref_squeeze %dma_wait3A_30 : memref<1x125x80xi32, #tpu.memory_space<hbm>> -> memref<125x80xi32, #tpu.memory_space<hbm>>
      %dma_wait3A_32 = arith.constant 0 : i32
      %dma_wait3A_33 = arith.constant 0 : i32
      %dma_wait3A_34 = tpu.memref_slice %arg4[%add3A, %dma_wait3A_32, %dma_wait3A_33] : memref<32x125x80xi32, #tpu.memory_space<hbm>> -> memref<1x125x80xi32, #tpu.memory_space<hbm>>
      %dma_wait3A_35 = tpu.memref_squeeze %dma_wait3A_34 : memref<1x125x80xi32, #tpu.memory_space<hbm>> -> memref<125x80xi32, #tpu.memory_space<hbm>>
      tpu.wait_dma2 semaphore(%run_scoped3A : memref<!tpu.dma_semaphore, #tpu.memory_space<semaphore_mem>>) src(%dma_wait3A_35 : memref<125x80xi32, #tpu.memory_space<hbm>>) dst(%arg10 : memref<125x80xi32, #tpu.memory_space<vmem>>)
      tpu.yield
    }) : () -> ()
    %barrier3A = arith.constant 0 : index
    tpu.barrier barrier_id(%barrier3A)
    %scan3A = arith.constant 0 : i32
    %scan3A_7 = arith.constant 0 : i32
    %scan3A_8 = arith.constant 125 : i32
    %scan3A_9 = arith.addi %scan3A_7, %scan3A_8 : i32
    %scan3A_10 = arith.constant 1 : i32
    scf.for %scan3A_22 = %scan3A_7 to %scan3A_9 step %scan3A_10  : i32 {
      %dma_start3A = arith.constant 0 : i32
      %dma_start3A_23 = tpu.memref_slice %arg9[%scan3A_22, %dma_start3A] : memref<125x80xi32, #tpu.memory_space<vmem>> -> memref<1x80xi32, #tpu.memory_space<vmem>>
      %dma_start3A_24 = tpu.memref_squeeze %dma_start3A_23 : memref<1x80xi32, #tpu.memory_space<vmem>> -> memref<80xi32, #tpu.memory_space<vmem>>
      %dma_start3A_25 = arith.constant 0 : i32
      %dma_start3A_26 = arith.constant 0 : i32
      %dma_start3A_27 = tpu.memref_slice %arg2[%dma_start3A_25, %dma_start3A_26] : memref<10000x128xf32, #tpu.memory_space<hbm>> -> memref<10000x128xf32, #tpu.memory_space<hbm>>
      tpu.enqueue_indirect_dma source(%dma_start3A_27 : memref<10000x128xf32, #tpu.memory_space<hbm>>) target(%arg11 : memref<80x128xf32, #tpu.memory_space<vmem>>) offsets(%dma_start3A_24 : memref<80xi32, #tpu.memory_space<vmem>>) semaphore(%arg15 : memref<!tpu.dma_semaphore, #tpu.memory_space<semaphore_mem>>)
      %dma_wait3A = arith.constant 0 : i32
      %dma_wait3A_28 = tpu.memref_slice %arg9[%scan3A_22, %dma_wait3A] : memref<125x80xi32, #tpu.memory_space<vmem>> -> memref<1x80xi32, #tpu.memory_space<vmem>>
      %dma_wait3A_29 = tpu.memref_squeeze %dma_wait3A_28 : memref<1x80xi32, #tpu.memory_space<vmem>> -> memref<80xi32, #tpu.memory_space<vmem>>
      %dma_wait3A_30 = arith.constant 0 : i32
      %dma_wait3A_31 = arith.constant 0 : i32
      %dma_wait3A_32 = tpu.memref_slice %arg2[%dma_wait3A_30, %dma_wait3A_31] : memref<10000x128xf32, #tpu.memory_space<hbm>> -> memref<10000x128xf32, #tpu.memory_space<hbm>>
      tpu.wait_indirect_dma semaphore(%arg15 : memref<!tpu.dma_semaphore, #tpu.memory_space<semaphore_mem>>) src(%dma_wait3A_32 : memref<10000x128xf32, #tpu.memory_space<hbm>>) dst(%arg11 : memref<80x128xf32, #tpu.memory_space<vmem>>)
      "tpu.region"() ({
        %run_scoped3A = tpu.sem_alloc : memref<!tpu.dma_semaphore, #tpu.memory_space<semaphore_mem>>
        %dma_start3A_33 = arith.constant 0 : i32
        %dma_start3A_34 = tpu.memref_slice %arg10[%scan3A_22, %dma_start3A_33] : memref<125x80xi32, #tpu.memory_space<vmem>> -> memref<1x80xi32, #tpu.memory_space<vmem>>
        %dma_start3A_35 = tpu.memref_squeeze %dma_start3A_34 : memref<1x80xi32, #tpu.memory_space<vmem>> -> memref<80xi32, #tpu.memory_space<vmem>>
        %dma_start3A_36 = arith.constant 0 : i32
        %dma_start3A_37 = arith.constant 0 : i32
        %dma_start3A_38 = tpu.memref_slice %arg13[%dma_start3A_36, %dma_start3A_37] : memref<10000x128xf32, #tpu.memory_space<vmem_shared>> -> memref<10000x128xf32, #tpu.memory_space<vmem_shared>>
        tpu.enqueue_indirect_dma source(%arg11 : memref<80x128xf32, #tpu.memory_space<vmem>>) target(%dma_start3A_38 : memref<10000x128xf32, #tpu.memory_space<vmem_shared>>) offsets(%dma_start3A_35 : memref<80xi32, #tpu.memory_space<vmem>>) semaphore(%run_scoped3A : memref<!tpu.dma_semaphore, #tpu.memory_space<semaphore_mem>>) {add = true}
        %dma_wait3A_39 = arith.constant 0 : i32
        %dma_wait3A_40 = tpu.memref_slice %arg10[%scan3A_22, %dma_wait3A_39] : memref<125x80xi32, #tpu.memory_space<vmem>> -> memref<1x80xi32, #tpu.memory_space<vmem>>
        %dma_wait3A_41 = tpu.memref_squeeze %dma_wait3A_40 : memref<1x80xi32, #tpu.memory_space<vmem>> -> memref<80xi32, #tpu.memory_space<vmem>>
        %dma_wait3A_42 = arith.constant 0 : i32
        %dma_wait3A_43 = arith.constant 0 : i32
        %dma_wait3A_44 = tpu.memref_slice %arg13[%dma_wait3A_42, %dma_wait3A_43] : memref<10000x128xf32, #tpu.memory_space<vmem_shared>> -> memref<10000x128xf32, #tpu.memory_space<vmem_shared>>
        tpu.wait_indirect_dma semaphore(%run_scoped3A : memref<!tpu.dma_semaphore, #tpu.memory_space<semaphore_mem>>) src(%arg11 : memref<80x128xf32, #tpu.memory_space<vmem>>) dst(%dma_wait3A_44 : memref<10000x128xf32, #tpu.memory_space<vmem_shared>>)
        tpu.yield
      }) : () -> ()
    }
    %scan3A_11 = arith.constant 125 : i32
    %barrier3A_12 = arith.constant 0 : index
    tpu.barrier barrier_id(%barrier3A_12)
    %mul3A_13 = arith.constant 624 : i32
    %mul3A_14 = arith.muli %arg1, %mul3A_13 : i32
    %mul3A_15 = arith.constant 624 : i32
    %mul3A_16 = arith.muli %arg1, %mul3A_15 : i32
    "tpu.region"() ({
      %run_scoped3A = tpu.sem_alloc : memref<!tpu.dma_semaphore, #tpu.memory_space<semaphore_mem>>
      %dma_start3A = arith.constant 0 : i32
      %dma_start3A_22 = tpu.memref_slice %arg7[%arg0, %mul3A_16, %dma_start3A] : memref<2x10000x128xf32, #tpu.memory_space<hbm>> -> memref<1x624x128xf32, #tpu.memory_space<hbm>>
      %dma_start3A_23 = tpu.memref_squeeze %dma_start3A_22 : memref<1x624x128xf32, #tpu.memory_space<hbm>> -> memref<624x128xf32, #tpu.memory_space<hbm>>
      %dma_start3A_24 = arith.constant 0 : i32
      %dma_start3A_25 = tpu.memref_slice %arg13[%mul3A_14, %dma_start3A_24] : memref<10000x128xf32, #tpu.memory_space<vmem_shared>> -> memref<624x128xf32, #tpu.memory_space<vmem_shared>>
      tpu.enqueue_dma source(%dma_start3A_25 : memref<624x128xf32, #tpu.memory_space<vmem_shared>>) target(%dma_start3A_23 : memref<624x128xf32, #tpu.memory_space<hbm>>) target_semaphore(%run_scoped3A : memref<!tpu.dma_semaphore, #tpu.memory_space<semaphore_mem>>)
      %dma_wait3A = arith.constant 0 : i32
      %dma_wait3A_26 = tpu.memref_slice %arg7[%arg0, %mul3A_16, %dma_wait3A] : memref<2x10000x128xf32, #tpu.memory_space<hbm>> -> memref<1x624x128xf32, #tpu.memory_space<hbm>>
      %dma_wait3A_27 = tpu.memref_squeeze %dma_wait3A_26 : memref<1x624x128xf32, #tpu.memory_space<hbm>> -> memref<624x128xf32, #tpu.memory_space<hbm>>
      %dma_wait3A_28 = arith.constant 0 : i32
      %dma_wait3A_29 = tpu.memref_slice %arg13[%mul3A_14, %dma_wait3A_28] : memref<10000x128xf32, #tpu.memory_space<vmem_shared>> -> memref<624x128xf32, #tpu.memory_space<vmem_shared>>
      tpu.wait_dma2 semaphore(%run_scoped3A : memref<!tpu.dma_semaphore, #tpu.memory_space<semaphore_mem>>) src(%dma_wait3A_29 : memref<624x128xf32, #tpu.memory_space<vmem_shared>>) dst(%dma_wait3A_27 : memref<624x128xf32, #tpu.memory_space<hbm>>)
      tpu.yield
    }) : () -> ()
    %eq3A_17 = arith.constant 0 : i32
    %eq3A_18 = arith.cmpi eq, %arg1, %eq3A_17 : i32
    %convert_element_type3A_19 = arith.extui %eq3A_18 : i1 to i32
    %cond3A_20 = arith.constant 0 : i32
    %cond3A_21 = arith.cmpi ne, %convert_element_type3A_19, %cond3A_20 : i32
    scf.if %cond3A_21 {
      "tpu.region"() ({
        %run_scoped3A = tpu.sem_alloc : memref<!tpu.dma_semaphore, #tpu.memory_space<semaphore_mem>>
        %dma_start3A = arith.constant 9984 : i32
        %dma_start3A_22 = arith.constant 0 : i32
        %dma_start3A_23 = tpu.memref_slice %arg7[%arg0, %dma_start3A, %dma_start3A_22] : memref<2x10000x128xf32, #tpu.memory_space<hbm>> -> memref<1x16x128xf32, #tpu.memory_space<hbm>>
        %dma_start3A_24 = tpu.memref_squeeze %dma_start3A_23 : memref<1x16x128xf32, #tpu.memory_space<hbm>> -> memref<16x128xf32, #tpu.memory_space<hbm>>
        %dma_start3A_25 = arith.constant 9984 : i32
        %dma_start3A_26 = arith.constant 0 : i32
        %dma_start3A_27 = tpu.memref_slice %arg13[%dma_start3A_25, %dma_start3A_26] : memref<10000x128xf32, #tpu.memory_space<vmem_shared>> -> memref<16x128xf32, #tpu.memory_space<vmem_shared>>
        tpu.enqueue_dma source(%dma_start3A_27 : memref<16x128xf32, #tpu.memory_space<vmem_shared>>) target(%dma_start3A_24 : memref<16x128xf32, #tpu.memory_space<hbm>>) target_semaphore(%run_scoped3A : memref<!tpu.dma_semaphore, #tpu.memory_space<semaphore_mem>>)
        %dma_wait3A = arith.constant 9984 : i32
        %dma_wait3A_28 = arith.constant 0 : i32
        %dma_wait3A_29 = tpu.memref_slice %arg7[%arg0, %dma_wait3A, %dma_wait3A_28] : memref<2x10000x128xf32, #tpu.memory_space<hbm>> -> memref<1x16x128xf32, #tpu.memory_space<hbm>>
        %dma_wait3A_30 = tpu.memref_squeeze %dma_wait3A_29 : memref<1x16x128xf32, #tpu.memory_space<hbm>> -> memref<16x128xf32, #tpu.memory_space<hbm>>
        %dma_wait3A_31 = arith.constant 9984 : i32
        %dma_wait3A_32 = arith.constant 0 : i32
        %dma_wait3A_33 = tpu.memref_slice %arg13[%dma_wait3A_31, %dma_wait3A_32] : memref<10000x128xf32, #tpu.memory_space<vmem_shared>> -> memref<16x128xf32, #tpu.memory_space<vmem_shared>>
        tpu.wait_dma2 semaphore(%run_scoped3A : memref<!tpu.dma_semaphore, #tpu.memory_space<semaphore_mem>>) src(%dma_wait3A_33 : memref<16x128xf32, #tpu.memory_space<vmem_shared>>) dst(%dma_wait3A_30 : memref<16x128xf32, #tpu.memory_space<hbm>>)
        tpu.yield
      }) : () -> ()
    } else {
    }
    return
  }
}

module attributes {stable_mosaic.version = 14 : i64} {
  func.func @_lin2_body(%arg0: i32, %arg1: memref<1000x128xf32, #tpu.memory_space<vmem>>, %arg2: memref<128x128xf32, #tpu.memory_space<vmem>>, %arg3: memref<128x128xf32, #tpu.memory_space<vmem>>, %arg4: memref<1x128xf32, #tpu.memory_space<vmem>>, %arg5: memref<1000x128xf32, #tpu.memory_space<vmem>>, %arg6: memref<1000x128xf32, #tpu.memory_space<vmem>>) attributes {dimension_semantics = [#tpu.dimension_semantics<arbitrary>], iteration_bounds = array<i64: 10>, scalar_prefetch = 0 : i64, scratch_operands = 0 : i64, tpu.core_type = #tpu.core_type<tc>, window_params = [{transform_indices = @transform_0, window_bounds = array<i64: 1000, 128>}, {pipeline_mode = #tpu.pipeline_mode<synchronous>, transform_indices = @transform_1, window_bounds = array<i64: 128, 128>}, {pipeline_mode = #tpu.pipeline_mode<synchronous>, transform_indices = @transform_2, window_bounds = array<i64: 128, 128>}, {pipeline_mode = #tpu.pipeline_mode<synchronous>, transform_indices = @transform_3, window_bounds = array<i64: 1, 128>}, {transform_indices = @transform_4, window_bounds = array<i64: 1000, 128>}, {transform_indices = @transform_5, window_bounds = array<i64: 1000, 128>}]} {
    %get3A = arith.constant 0 : index
    %get3A_0 = arith.constant 0 : index
    %get3A_1 = vector.load %arg1[%get3A, %get3A_0] : memref<1000x128xf32, #tpu.memory_space<vmem>>, vector<1000x128xf32>
    %get3A_2 = arith.constant 0 : index
    %get3A_3 = arith.constant 0 : index
    %get3A_4 = vector.load %arg2[%get3A_2, %get3A_3] : memref<128x128xf32, #tpu.memory_space<vmem>>, vector<128x128xf32>
    %dot_general3A = arith.constant dense<0.000000e+00> : vector<1000x128xf32>
    %dot_general3A_5 = tpu.matmul %get3A_1, %get3A_4, %dot_general3A {dimension_numbers = #tpu.dot_dimension_numbers<[1], [1], [0], [0], [0, 0, 1, 0], [], []>, transpose_lhs_hint = false} : vector<1000x128xf32>, vector<128x128xf32>, vector<1000x128xf32> -> vector<1000x128xf32>
    %swap3A = arith.constant 0 : index
    %swap3A_6 = arith.constant 0 : index
    %swap3A_7 = vector.load %arg5[%swap3A, %swap3A_6] : memref<1000x128xf32, #tpu.memory_space<vmem>>, vector<1000x128xf32>
    tpu.vector_store %arg5[%swap3A, %swap3A_6], %dot_general3A_5 {strides = array<i32>} : memref<1000x128xf32, #tpu.memory_space<vmem>>, vector<1000x128xf32>,
    %get3A_8 = arith.constant 0 : index
    %get3A_9 = arith.constant 0 : index
    %get3A_10 = vector.load %arg3[%get3A_8, %get3A_9] : memref<128x128xf32, #tpu.memory_space<vmem>>, vector<128x128xf32>
    %dot_general3A_11 = arith.constant dense<0.000000e+00> : vector<1000x128xf32>
    %dot_general3A_12 = tpu.matmul %get3A_1, %get3A_10, %dot_general3A_11 {dimension_numbers = #tpu.dot_dimension_numbers<[1], [1], [0], [0], [0, 0, 1, 0], [], []>, transpose_lhs_hint = false} : vector<1000x128xf32>, vector<128x128xf32>, vector<1000x128xf32> -> vector<1000x128xf32>
    %get3A_13 = arith.constant 0 : index
    %get3A_14 = arith.constant 0 : index
    %get3A_15 = vector.load %arg4[%get3A_13, %get3A_14] : memref<1x128xf32, #tpu.memory_space<vmem>>, vector<1x128xf32>
    %add3A = vector.broadcast %get3A_15 : vector<1x128xf32> to vector<1000x128xf32>
    %add3A_16 = arith.addf %dot_general3A_12, %add3A : vector<1000x128xf32>
    %swap3A_17 = arith.constant 0 : index
    %swap3A_18 = arith.constant 0 : index
    %swap3A_19 = vector.load %arg6[%swap3A_17, %swap3A_18] : memref<1000x128xf32, #tpu.memory_space<vmem>>, vector<1000x128xf32>
    tpu.vector_store %arg6[%swap3A_17, %swap3A_18], %add3A_16 {strides = array<i32>} : memref<1000x128xf32, #tpu.memory_space<vmem>>, vector<1000x128xf32>,
    return
  }
  func.func @transform_0(%arg0: i32) -> (i32, i32) {
    %c0_i32 = arith.constant 0 : i32
    %c0_i32_0 = arith.constant 0 : i32
    return %arg0, %c0_i32 : i32, i32
  }
  func.func @transform_1(%arg0: i32) -> (i32, i32) {
    %c0_i32 = arith.constant 0 : i32
    %c0_i32_0 = arith.constant 0 : i32
    %c0_i32_1 = arith.constant 0 : i32
    return %c0_i32, %c0_i32_0 : i32, i32
  }
  func.func @transform_2(%arg0: i32) -> (i32, i32) {
    %c0_i32 = arith.constant 0 : i32
    %c0_i32_0 = arith.constant 0 : i32
    %c0_i32_1 = arith.constant 0 : i32
    return %c0_i32, %c0_i32_0 : i32, i32
  }
  func.func @transform_3(%arg0: i32) -> (i32, i32) {
    %c0_i32 = arith.constant 0 : i32
    %c0_i32_0 = arith.constant 0 : i32
    %c0_i32_1 = arith.constant 0 : i32
    return %c0_i32, %c0_i32_0 : i32, i32
  }
  func.func @transform_4(%arg0: i32) -> (i32, i32) {
    %c0_i32 = arith.constant 0 : i32
    %c0_i32_0 = arith.constant 0 : i32
    return %arg0, %c0_i32 : i32, i32
  }
  func.func @transform_5(%arg0: i32) -> (i32, i32) {
    %c0_i32 = arith.constant 0 : i32
    %c0_i32_0 = arith.constant 0 : i32
    return %arg0, %c0_i32 : i32, i32
  }
}

module attributes {stable_mosaic.version = 14 : i64} {
  func.func @_sage_next_body(%arg0: i32, %arg1: memref<2x1000x128xf32, #tpu.memory_space<vmem>>, %arg2: memref<2x1x1x1000xf32, #tpu.memory_space<vmem>>, %arg3: memref<1000x128xf32, #tpu.memory_space<vmem>>, %arg4: memref<128x128xf32, #tpu.memory_space<vmem>>, %arg5: memref<128x128xf32, #tpu.memory_space<vmem>>, %arg6: memref<1x128xf32, #tpu.memory_space<vmem>>, %arg7: memref<1000x128xf32, #tpu.memory_space<vmem>>, %arg8: memref<1000x128xf32, #tpu.memory_space<vmem>>) attributes {dimension_semantics = [#tpu.dimension_semantics<arbitrary>], iteration_bounds = array<i64: 10>, scalar_prefetch = 0 : i64, scratch_operands = 0 : i64, tpu.core_type = #tpu.core_type<tc>, window_params = [{transform_indices = @transform_0, window_bounds = array<i64: 2, 1000, 128>}, {transform_indices = @transform_1, window_bounds = array<i64: 2, 1, 1, 1000>}, {transform_indices = @transform_2, window_bounds = array<i64: 1000, 128>}, {pipeline_mode = #tpu.pipeline_mode<synchronous>, transform_indices = @transform_3, window_bounds = array<i64: 128, 128>}, {pipeline_mode = #tpu.pipeline_mode<synchronous>, transform_indices = @transform_4, window_bounds = array<i64: 128, 128>}, {pipeline_mode = #tpu.pipeline_mode<synchronous>, transform_indices = @transform_5, window_bounds = array<i64: 1, 128>}, {transform_indices = @transform_6, window_bounds = array<i64: 1000, 128>}, {transform_indices = @transform_7, window_bounds = array<i64: 1000, 128>}]} {
    %get3A = arith.constant 0 : index
    %get3A_0 = arith.constant 0 : index
    %get3A_1 = arith.constant 0 : index
    %get3A_2 = arith.constant 0 : index
    %get3A_3 = vector.load %arg2[%get3A, %get3A_0, %get3A_1, %get3A_2] : memref<2x1x1x1000xf32, #tpu.memory_space<vmem>>, vector<1x1x1x1000xf32>
    %get3A_4 = vector.shape_cast %get3A_3 : vector<1x1x1x1000xf32> to vector<1000xf32>
    %get3A_5 = arith.constant 1 : index
    %get3A_6 = arith.constant 0 : index
    %get3A_7 = arith.constant 0 : index
    %get3A_8 = arith.constant 0 : index
    %get3A_9 = vector.load %arg2[%get3A_5, %get3A_6, %get3A_7, %get3A_8] : memref<2x1x1x1000xf32, #tpu.memory_space<vmem>>, vector<1x1x1x1000xf32>
    %get3A_10 = vector.shape_cast %get3A_9 : vector<1x1x1x1000xf32> to vector<1000xf32>
    %add3A = arith.addf %get3A_4, %get3A_10 : vector<1000xf32>
    %max3A = arith.constant 1.000000e+00 : f32
    %max3A_11 = vector.broadcast %max3A : f32 to vector<1000xf32>
    %max3A_12 = arith.maximumf %add3A, %max3A_11 : vector<1000xf32>
    %div3A = arith.constant 1.000000e+00 : f32
    %div3A_13 = vector.broadcast %div3A : f32 to vector<1000xf32>
    %div3A_14 = arith.divf %div3A_13, %max3A_12 : vector<1000xf32>
    %get3A_15 = arith.constant 0 : index
    %get3A_16 = arith.constant 0 : index
    %get3A_17 = arith.constant 0 : index
    %get3A_18 = vector.load %arg1[%get3A_15, %get3A_16, %get3A_17] : memref<2x1000x128xf32, #tpu.memory_space<vmem>>, vector<1x1000x128xf32>
    %get3A_19 = vector.shape_cast %get3A_18 : vector<1x1000x128xf32> to vector<1000x128xf32>
    %get3A_20 = arith.constant 1 : index
    %get3A_21 = arith.constant 0 : index
    %get3A_22 = arith.constant 0 : index
    %get3A_23 = vector.load %arg1[%get3A_20, %get3A_21, %get3A_22] : memref<2x1000x128xf32, #tpu.memory_space<vmem>>, vector<1x1000x128xf32>
    %get3A_24 = vector.shape_cast %get3A_23 : vector<1x1000x128xf32> to vector<1000x128xf32>
    %add3A_25 = arith.addf %get3A_19, %get3A_24 : vector<1000x128xf32>
    %broadcast_in_dim3A = vector.shape_cast %div3A_14 : vector<1000xf32> to vector<1000x1xf32>
    %mul3A = vector.broadcast %broadcast_in_dim3A : vector<1000x1xf32> to vector<1000x128xf32>
    %mul3A_26 = arith.mulf %add3A_25, %mul3A : vector<1000x128xf32>
    %get3A_27 = arith.constant 0 : index
    %get3A_28 = arith.constant 0 : index
    %get3A_29 = vector.load %arg3[%get3A_27, %get3A_28] : memref<1000x128xf32, #tpu.memory_space<vmem>>, vector<1000x128xf32>
    %add3A_30 = arith.addf %mul3A_26, %get3A_29 : vector<1000x128xf32>
    %max3A_31 = arith.constant 0.000000e+00 : f32
    %max3A_32 = vector.broadcast %max3A_31 : f32 to vector<1000x128xf32>
    %max3A_33 = arith.maximumf %add3A_30, %max3A_32 : vector<1000x128xf32>
    %get3A_34 = arith.constant 0 : index
    %get3A_35 = arith.constant 0 : index
    %get3A_36 = vector.load %arg4[%get3A_34, %get3A_35] : memref<128x128xf32, #tpu.memory_space<vmem>>, vector<128x128xf32>
    %dot_general3A = arith.constant dense<0.000000e+00> : vector<1000x128xf32>
    %dot_general3A_37 = tpu.matmul %max3A_33, %get3A_36, %dot_general3A {dimension_numbers = #tpu.dot_dimension_numbers<[1], [1], [0], [0], [0, 0, 1, 0], [], []>, transpose_lhs_hint = false} : vector<1000x128xf32>, vector<128x128xf32>, vector<1000x128xf32> -> vector<1000x128xf32>
    %swap3A = arith.constant 0 : index
    %swap3A_38 = arith.constant 0 : index
    %swap3A_39 = vector.load %arg7[%swap3A, %swap3A_38] : memref<1000x128xf32, #tpu.memory_space<vmem>>, vector<1000x128xf32>
    tpu.vector_store %arg7[%swap3A, %swap3A_38], %dot_general3A_37 {strides = array<i32>} : memref<1000x128xf32, #tpu.memory_space<vmem>>, vector<1000x128xf32>,
    %get3A_40 = arith.constant 0 : index
    %get3A_41 = arith.constant 0 : index
    %get3A_42 = vector.load %arg5[%get3A_40, %get3A_41] : memref<128x128xf32, #tpu.memory_space<vmem>>, vector<128x128xf32>
    %dot_general3A_43 = arith.constant dense<0.000000e+00> : vector<1000x128xf32>
    %dot_general3A_44 = tpu.matmul %max3A_33, %get3A_42, %dot_general3A_43 {dimension_numbers = #tpu.dot_dimension_numbers<[1], [1], [0], [0], [0, 0, 1, 0], [], []>, transpose_lhs_hint = false} : vector<1000x128xf32>, vector<128x128xf32>, vector<1000x128xf32> -> vector<1000x128xf32>
    %get3A_45 = arith.constant 0 : index
    %get3A_46 = arith.constant 0 : index
    %get3A_47 = vector.load %arg6[%get3A_45, %get3A_46] : memref<1x128xf32, #tpu.memory_space<vmem>>, vector<1x128xf32>
    %add3A_48 = vector.broadcast %get3A_47 : vector<1x128xf32> to vector<1000x128xf32>
    %add3A_49 = arith.addf %dot_general3A_44, %add3A_48 : vector<1000x128xf32>
    %swap3A_50 = arith.constant 0 : index
    %swap3A_51 = arith.constant 0 : index
    %swap3A_52 = vector.load %arg8[%swap3A_50, %swap3A_51] : memref<1000x128xf32, #tpu.memory_space<vmem>>, vector<1000x128xf32>
    tpu.vector_store %arg8[%swap3A_50, %swap3A_51], %add3A_49 {strides = array<i32>} : memref<1000x128xf32, #tpu.memory_space<vmem>>, vector<1000x128xf32>,
    return
  }
  func.func @transform_0(%arg0: i32) -> (i32, i32, i32) {
    %c0_i32 = arith.constant 0 : i32
    %c0_i32_0 = arith.constant 0 : i32
    %c0_i32_1 = arith.constant 0 : i32
    return %c0_i32, %arg0, %c0_i32_0 : i32, i32, i32
  }
  func.func @transform_1(%arg0: i32) -> (i32, i32, i32, i32) {
    %c0_i32 = arith.constant 0 : i32
    %c0_i32_0 = arith.constant 0 : i32
    %c0_i32_1 = arith.constant 0 : i32
    %c0_i32_2 = arith.constant 0 : i32
    return %c0_i32, %arg0, %c0_i32_0, %c0_i32_1 : i32, i32, i32, i32
  }
  func.func @transform_2(%arg0: i32) -> (i32, i32) {
    %c0_i32 = arith.constant 0 : i32
    %c0_i32_0 = arith.constant 0 : i32
    return %arg0, %c0_i32 : i32, i32
  }
  func.func @transform_3(%arg0: i32) -> (i32, i32) {
    %c0_i32 = arith.constant 0 : i32
    %c0_i32_0 = arith.constant 0 : i32
    %c0_i32_1 = arith.constant 0 : i32
    return %c0_i32, %c0_i32_0 : i32, i32
  }
  func.func @transform_4(%arg0: i32) -> (i32, i32) {
    %c0_i32 = arith.constant 0 : i32
    %c0_i32_0 = arith.constant 0 : i32
    %c0_i32_1 = arith.constant 0 : i32
    return %c0_i32, %c0_i32_0 : i32, i32
  }
  func.func @transform_5(%arg0: i32) -> (i32, i32) {
    %c0_i32 = arith.constant 0 : i32
    %c0_i32_0 = arith.constant 0 : i32
    %c0_i32_1 = arith.constant 0 : i32
    return %c0_i32, %c0_i32_0 : i32, i32
  }
  func.func @transform_6(%arg0: i32) -> (i32, i32) {
    %c0_i32 = arith.constant 0 : i32
    %c0_i32_0 = arith.constant 0 : i32
    return %arg0, %c0_i32 : i32, i32
  }
  func.func @transform_7(%arg0: i32) -> (i32, i32) {
    %c0_i32 = arith.constant 0 : i32
    %c0_i32_0 = arith.constant 0 : i32
    return %arg0, %c0_i32 : i32, i32
  }
}

module attributes {stable_mosaic.version = 14 : i64} {
  func.func @_wc_body(%arg0: memref<2x128xf32, #tpu.memory_space<vmem>>, %arg1: memref<1x2xf32, #tpu.memory_space<vmem>>, %arg2: memref<1x2xf32, #tpu.memory_space<vmem>>, %arg3: memref<8x128xf32, #tpu.memory_space<vmem>>) attributes {dimension_semantics = [], scalar_prefetch = 0 : i64, scratch_operands = 0 : i64, tpu.core_type = #tpu.core_type<tc>} {
    %get3A = arith.constant 0 : index
    %get3A_0 = arith.constant 0 : index
    %get3A_1 = vector.load %arg0[%get3A, %get3A_0] : memref<2x128xf32, #tpu.memory_space<vmem>>, vector<2x128xf32>
    %get3A_2 = arith.constant 0 : index
    %get3A_3 = arith.constant 0 : index
    %get3A_4 = vector.load %arg1[%get3A_2, %get3A_3] : memref<1x2xf32, #tpu.memory_space<vmem>>, vector<1x2xf32>
    %dot_general3A = arith.constant dense<0.000000e+00> : vector<1x128xf32>
    %dot_general3A_5 = tpu.matmul %get3A_4, %get3A_1, %dot_general3A {dimension_numbers = #tpu.dot_dimension_numbers<[1], [0], [0], [1], [0, 0, 1, 1], [], []>, transpose_lhs_hint = false} : vector<1x2xf32>, vector<2x128xf32>, vector<1x128xf32> -> vector<1x128xf32>
    %get3A_6 = arith.constant 0 : index
    %get3A_7 = arith.constant 0 : index
    %get3A_8 = vector.load %arg2[%get3A_6, %get3A_7] : memref<1x2xf32, #tpu.memory_space<vmem>>, vector<1x2xf32>
    %dot_general3A_9 = arith.constant dense<0.000000e+00> : vector<1x128xf32>
    %dot_general3A_10 = tpu.matmul %get3A_8, %get3A_1, %dot_general3A_9 {dimension_numbers = #tpu.dot_dimension_numbers<[1], [0], [0], [1], [0, 0, 1, 1], [], []>, transpose_lhs_hint = false} : vector<1x2xf32>, vector<2x128xf32>, vector<1x128xf32> -> vector<1x128xf32>
    %broadcast_in_dim3A = arith.constant 0.000000e+00 : f32
    %broadcast_in_dim3A_11 = vector.broadcast %broadcast_in_dim3A : f32 to vector<4x128xf32>
    %concatenate3A = tpu.concatenate %get3A_1, %dot_general3A_5, %dot_general3A_10, %broadcast_in_dim3A_11 in 0 : vector<2x128xf32>, vector<1x128xf32>, vector<1x128xf32>, vector<4x128xf32> -> vector<8x128xf32>
    %swap3A = arith.constant 0 : index
    %swap3A_12 = arith.constant 0 : index
    %swap3A_13 = vector.load %arg3[%swap3A, %swap3A_12] : memref<8x128xf32, #tpu.memory_space<vmem>>, vector<8x128xf32>
    tpu.vector_store %arg3[%swap3A, %swap3A_12], %concatenate3A {strides = array<i32>} : memref<8x128xf32, #tpu.memory_space<vmem>>, vector<8x128xf32>,
    return
  }
}

module attributes {stable_mosaic.version = 14 : i64} {
  func.func @_gat_prep_body(%arg0: i32, %arg1: memref<2x1000x128xf32, #tpu.memory_space<vmem>>, %arg2: memref<2x1x1x1000xf32, #tpu.memory_space<vmem>>, %arg3: memref<1000x128xf32, #tpu.memory_space<vmem>>, %arg4: memref<8x128xf32, #tpu.memory_space<vmem>>, %arg5: memref<4x1x1x1000xf32, #tpu.memory_space<vmem>>, %arg6: memref<1x1xf32, #tpu.memory_space<smem>>, %arg7: memref<1x1xf32, #tpu.memory_space<smem>>) attributes {dimension_semantics = [#tpu.dimension_semantics<arbitrary>], iteration_bounds = array<i64: 10>, scalar_prefetch = 0 : i64, scratch_operands = 0 : i64, tpu.core_type = #tpu.core_type<tc>, window_params = [{transform_indices = @transform_0, window_bounds = array<i64: 2, 1000, 128>}, {transform_indices = @transform_1, window_bounds = array<i64: 2, 1, 1, 1000>}, {transform_indices = @transform_2, window_bounds = array<i64: 1000, 128>}, {pipeline_mode = #tpu.pipeline_mode<synchronous>, transform_indices = @transform_3, window_bounds = array<i64: 8, 128>}, {transform_indices = @transform_4, window_bounds = array<i64: 4, 1, 1, 1000>}, {transform_indices = @transform_5, window_bounds = array<i64: 1, 1>}, {transform_indices = @transform_6, window_bounds = array<i64: 1, 1>}]} {
    %get3A = arith.constant 0 : index
    %get3A_0 = arith.constant 0 : index
    %get3A_1 = arith.constant 0 : index
    %get3A_2 = arith.constant 0 : index
    %get3A_3 = vector.load %arg2[%get3A, %get3A_0, %get3A_1, %get3A_2] : memref<2x1x1x1000xf32, #tpu.memory_space<vmem>>, vector<1x1x1x1000xf32>
    %get3A_4 = vector.shape_cast %get3A_3 : vector<1x1x1x1000xf32> to vector<1000xf32>
    %get3A_5 = arith.constant 1 : index
    %get3A_6 = arith.constant 0 : index
    %get3A_7 = arith.constant 0 : index
    %get3A_8 = arith.constant 0 : index
    %get3A_9 = vector.load %arg2[%get3A_5, %get3A_6, %get3A_7, %get3A_8] : memref<2x1x1x1000xf32, #tpu.memory_space<vmem>>, vector<1x1x1x1000xf32>
    %get3A_10 = vector.shape_cast %get3A_9 : vector<1x1x1x1000xf32> to vector<1000xf32>
    %add3A = arith.addf %get3A_4, %get3A_10 : vector<1000xf32>
    %max3A = arith.constant 1.000000e+00 : f32
    %max3A_11 = vector.broadcast %max3A : f32 to vector<1000xf32>
    %max3A_12 = arith.maximumf %add3A, %max3A_11 : vector<1000xf32>
    %div3A = arith.constant 1.000000e+00 : f32
    %div3A_13 = vector.broadcast %div3A : f32 to vector<1000xf32>
    %div3A_14 = arith.divf %div3A_13, %max3A_12 : vector<1000xf32>
    %get3A_15 = arith.constant 0 : index
    %get3A_16 = arith.constant 0 : index
    %get3A_17 = arith.constant 0 : index
    %get3A_18 = vector.load %arg1[%get3A_15, %get3A_16, %get3A_17] : memref<2x1000x128xf32, #tpu.memory_space<vmem>>, vector<1x1000x128xf32>
    %get3A_19 = vector.shape_cast %get3A_18 : vector<1x1000x128xf32> to vector<1000x128xf32>
    %get3A_20 = arith.constant 1 : index
    %get3A_21 = arith.constant 0 : index
    %get3A_22 = arith.constant 0 : index
    %get3A_23 = vector.load %arg1[%get3A_20, %get3A_21, %get3A_22] : memref<2x1000x128xf32, #tpu.memory_space<vmem>>, vector<1x1000x128xf32>
    %get3A_24 = vector.shape_cast %get3A_23 : vector<1x1000x128xf32> to vector<1000x128xf32>
    %add3A_25 = arith.addf %get3A_19, %get3A_24 : vector<1000x128xf32>
    %broadcast_in_dim3A = vector.shape_cast %div3A_14 : vector<1000xf32> to vector<1000x1xf32>
    %mul3A = vector.broadcast %broadcast_in_dim3A : vector<1000x1xf32> to vector<1000x128xf32>
    %mul3A_26 = arith.mulf %add3A_25, %mul3A : vector<1000x128xf32>
    %get3A_27 = arith.constant 0 : index
    %get3A_28 = arith.constant 0 : index
    %get3A_29 = vector.load %arg3[%get3A_27, %get3A_28] : memref<1000x128xf32, #tpu.memory_space<vmem>>, vector<1000x128xf32>
    %add3A_30 = arith.addf %mul3A_26, %get3A_29 : vector<1000x128xf32>
    %max3A_31 = arith.constant 0.000000e+00 : f32
    %max3A_32 = vector.broadcast %max3A_31 : f32 to vector<1000x128xf32>
    %max3A_33 = arith.maximumf %add3A_30, %max3A_32 : vector<1000x128xf32>
    %get3A_34 = arith.constant 0 : index
    %get3A_35 = arith.constant 0 : index
    %get3A_36 = vector.load %arg4[%get3A_34, %get3A_35] : memref<8x128xf32, #tpu.memory_space<vmem>>, vector<8x128xf32>
    %dot_general3A = arith.constant dense<0.000000e+00> : vector<1000x8xf32>
    %dot_general3A_37 = tpu.matmul %max3A_33, %get3A_36, %dot_general3A {dimension_numbers = #tpu.dot_dimension_numbers<[1], [1], [0], [0], [0, 0, 1, 0], [], []>, transpose_lhs_hint = false} : vector<1000x128xf32>, vector<8x128xf32>, vector<1000x8xf32> -> vector<1000x8xf32>
    %slice3A = vector.extract_strided_slice %dot_general3A_37 {offsets = [0, 2], sizes = [1000, 1], strides = [1, 1]} : vector<1000x8xf32> to vector<1000x1xf32>
    %squeeze3A = vector.shape_cast %slice3A : vector<1000x1xf32> to vector<1000xf32>
    %slice3A_38 = vector.extract_strided_slice %dot_general3A_37 {offsets = [0, 3], sizes = [1000, 1], strides = [1, 1]} : vector<1000x8xf32> to vector<1000x1xf32>
    %squeeze3A_39 = vector.shape_cast %slice3A_38 : vector<1000x1xf32> to vector<1000xf32>
    %swap3A = arith.constant 0 : index
    %swap3A_40 = arith.constant 0 : index
    %swap3A_41 = arith.constant 0 : index
    %swap3A_42 = arith.constant 0 : index
    %swap3A_43 = vector.load %arg5[%swap3A, %swap3A_40, %swap3A_41, %swap3A_42] : memref<4x1x1x1000xf32, #tpu.memory_space<vmem>>, vector<1x1x1x1000xf32>
    %swap3A_44 = vector.shape_cast %swap3A_43 : vector<1x1x1x1000xf32> to vector<1000xf32>
    %swap3A_45 = vector.shape_cast %squeeze3A : vector<1000xf32> to vector<1x1x1x1000xf32>
    tpu.vector_store %arg5[%swap3A, %swap3A_40, %swap3A_41, %swap3A_42], %swap3A_45 {strides = array<i32>} : memref<4x1x1x1000xf32, #tpu.memory_space<vmem>>, vector<1x1x1x1000xf32>,
    %swap3A_46 = arith.constant 1 : index
    %swap3A_47 = arith.constant 0 : index
    %swap3A_48 = arith.constant 0 : index
    %swap3A_49 = arith.constant 0 : index
    %swap3A_50 = vector.load %arg5[%swap3A_46, %swap3A_47, %swap3A_48, %swap3A_49] : memref<4x1x1x1000xf32, #tpu.memory_space<vmem>>, vector<1x1x1x1000xf32>
    %swap3A_51 = vector.shape_cast %swap3A_50 : vector<1x1x1x1000xf32> to vector<1000xf32>
    %swap3A_52 = vector.shape_cast %squeeze3A_39 : vector<1000xf32> to vector<1x1x1x1000xf32>
    tpu.vector_store %arg5[%swap3A_46, %swap3A_47, %swap3A_48, %swap3A_49], %swap3A_52 {strides = array<i32>} : memref<4x1x1x1000xf32, #tpu.memory_space<vmem>>, vector<1x1x1x1000xf32>,
    %slice3A_53 = vector.extract_strided_slice %dot_general3A_37 {offsets = [0, 0], sizes = [1000, 1], strides = [1, 1]} : vector<1000x8xf32> to vector<1000x1xf32>
    %squeeze3A_54 = vector.shape_cast %slice3A_53 : vector<1000x1xf32> to vector<1000xf32>
    %swap3A_55 = arith.constant 2 : index
    %swap3A_56 = arith.constant 0 : index
    %swap3A_57 = arith.constant 0 : index
    %swap3A_58 = arith.constant 0 : index
    %swap3A_59 = vector.load %arg5[%swap3A_55, %swap3A_56, %swap3A_57, %swap3A_58] : memref<4x1x1x1000xf32, #tpu.memory_space<vmem>>, vector<1x1x1x1000xf32>
    %swap3A_60 = vector.shape_cast %swap3A_59 : vector<1x1x1x1000xf32> to vector<1000xf32>
    %swap3A_61 = vector.shape_cast %squeeze3A_54 : vector<1000xf32> to vector<1x1x1x1000xf32>
    tpu.vector_store %arg5[%swap3A_55, %swap3A_56, %swap3A_57, %swap3A_58], %swap3A_61 {strides = array<i32>} : memref<4x1x1x1000xf32, #tpu.memory_space<vmem>>, vector<1x1x1x1000xf32>,
    %slice3A_62 = vector.extract_strided_slice %dot_general3A_37 {offsets = [0, 1], sizes = [1000, 1], strides = [1, 1]} : vector<1000x8xf32> to vector<1000x1xf32>
    %squeeze3A_63 = vector.shape_cast %slice3A_62 : vector<1000x1xf32> to vector<1000xf32>
    %swap3A_64 = arith.constant 3 : index
    %swap3A_65 = arith.constant 0 : index
    %swap3A_66 = arith.constant 0 : index
    %swap3A_67 = arith.constant 0 : index
    %swap3A_68 = vector.load %arg5[%swap3A_64, %swap3A_65, %swap3A_66, %swap3A_67] : memref<4x1x1x1000xf32, #tpu.memory_space<vmem>>, vector<1x1x1x1000xf32>
    %swap3A_69 = vector.shape_cast %swap3A_68 : vector<1x1x1x1000xf32> to vector<1000xf32>
    %swap3A_70 = vector.shape_cast %squeeze3A_63 : vector<1000xf32> to vector<1x1x1x1000xf32>
    tpu.vector_store %arg5[%swap3A_64, %swap3A_65, %swap3A_66, %swap3A_67], %swap3A_70 {strides = array<i32>} : memref<4x1x1x1000xf32, #tpu.memory_space<vmem>>, vector<1x1x1x1000xf32>,
    %reduce_max3A = vector.shape_cast %squeeze3A : vector<1000xf32> to vector<1x1000xf32>
    %reduce_max3A_71 = arith.constant dense<0xFF800000> : vector<1xf32>
    %reduce_max3A_72 = vector.multi_reduction <maximumf>, %reduce_max3A, %reduce_max3A_71 [1] : vector<1x1000xf32> to vector<1xf32>
    %reduce_max3A_73 = vector.shape_cast %reduce_max3A_72 : vector<1xf32> to vector<1x1xf32>
    %reduce_max3A_74 = vector.extract %reduce_max3A_73[0, 0] : f32 from vector<1x1xf32>
    %reduce_max3A_75 = vector.shape_cast %squeeze3A_39 : vector<1000xf32> to vector<1x1000xf32>
    %reduce_max3A_76 = arith.constant dense<0xFF800000> : vector<1xf32>
    %reduce_max3A_77 = vector.multi_reduction <maximumf>, %reduce_max3A_75, %reduce_max3A_76 [1] : vector<1x1000xf32> to vector<1xf32>
    %reduce_max3A_78 = vector.shape_cast %reduce_max3A_77 : vector<1xf32> to vector<1x1xf32>
    %reduce_max3A_79 = vector.extract %reduce_max3A_78[0, 0] : f32 from vector<1x1xf32>
    %eq3A = arith.constant 0 : i32
    %eq3A_80 = arith.cmpi eq, %arg0, %eq3A : i32
    %convert_element_type3A = arith.extui %eq3A_80 : i1 to i32
    %cond3A = arith.constant 0 : i32
    %cond3A_81 = arith.cmpi ne, %convert_element_type3A, %cond3A : i32
    scf.if %cond3A_81 {
      %swap3A_86 = arith.constant 0 : index
      %swap3A_87 = arith.constant 0 : index
      %swap3A_88 = memref.load %arg6[%swap3A_86, %swap3A_87] : memref<1x1xf32, #tpu.memory_space<smem>>
      memref.store %reduce_max3A_74, %arg6[%swap3A_86, %swap3A_87] : memref<1x1xf32, #tpu.memory_space<smem>>
      %swap3A_89 = arith.constant 0 : index
      %swap3A_90 = arith.constant 0 : index
      %swap3A_91 = memref.load %arg7[%swap3A_89, %swap3A_90] : memref<1x1xf32, #tpu.memory_space<smem>>
      memref.store %reduce_max3A_79, %arg7[%swap3A_89, %swap3A_90] : memref<1x1xf32, #tpu.memory_space<smem>>
    } else {
    }
    %gt3A = arith.constant 0 : i32
    %gt3A_82 = arith.cmpi sgt, %arg0, %gt3A : i32
    %convert_element_type3A_83 = arith.extui %gt3A_82 : i1 to i32
    %cond3A_84 = arith.constant 0 : i32
    %cond3A_85 = arith.cmpi ne, %convert_element_type3A_83, %cond3A_84 : i32
    scf.if %cond3A_85 {
      %get3A_86 = arith.constant 0 : index
      %get3A_87 = arith.constant 0 : index
      %get3A_88 = memref.load %arg6[%get3A_86, %get3A_87] : memref<1x1xf32, #tpu.memory_space<smem>>
      %max3A_89 = arith.maximumf %get3A_88, %reduce_max3A_74 : f32
      %swap3A_90 = arith.constant 0 : index
      %swap3A_91 = arith.constant 0 : index
      %swap3A_92 = memref.load %arg6[%swap3A_90, %swap3A_91] : memref<1x1xf32, #tpu.memory_space<smem>>
      memref.store %max3A_89, %arg6[%swap3A_90, %swap3A_91] : memref<1x1xf32, #tpu.memory_space<smem>>
      %get3A_93 = arith.constant 0 : index
      %get3A_94 = arith.constant 0 : index
      %get3A_95 = memref.load %arg7[%get3A_93, %get3A_94] : memref<1x1xf32, #tpu.memory_space<smem>>
      %max3A_96 = arith.maximumf %get3A_95, %reduce_max3A_79 : f32
      %swap3A_97 = arith.constant 0 : index
      %swap3A_98 = arith.constant 0 : index
      %swap3A_99 = memref.load %arg7[%swap3A_97, %swap3A_98] : memref<1x1xf32, #tpu.memory_space<smem>>
      memref.store %max3A_96, %arg7[%swap3A_97, %swap3A_98] : memref<1x1xf32, #tpu.memory_space<smem>>
    } else {
    }
    return
  }
  func.func @transform_0(%arg0: i32) -> (i32, i32, i32) {
    %c0_i32 = arith.constant 0 : i32
    %c0_i32_0 = arith.constant 0 : i32
    %c0_i32_1 = arith.constant 0 : i32
    return %c0_i32, %arg0, %c0_i32_0 : i32, i32, i32
  }
  func.func @transform_1(%arg0: i32) -> (i32, i32, i32, i32) {
    %c0_i32 = arith.constant 0 : i32
    %c0_i32_0 = arith.constant 0 : i32
    %c0_i32_1 = arith.constant 0 : i32
    %c0_i32_2 = arith.constant 0 : i32
    return %c0_i32, %arg0, %c0_i32_0, %c0_i32_1 : i32, i32, i32, i32
  }
  func.func @transform_2(%arg0: i32) -> (i32, i32) {
    %c0_i32 = arith.constant 0 : i32
    %c0_i32_0 = arith.constant 0 : i32
    return %arg0, %c0_i32 : i32, i32
  }
  func.func @transform_3(%arg0: i32) -> (i32, i32) {
    %c0_i32 = arith.constant 0 : i32
    %c0_i32_0 = arith.constant 0 : i32
    %c0_i32_1 = arith.constant 0 : i32
    return %c0_i32, %c0_i32_0 : i32, i32
  }
  func.func @transform_4(%arg0: i32) -> (i32, i32, i32, i32) {
    %c0_i32 = arith.constant 0 : i32
    %c0_i32_0 = arith.constant 0 : i32
    %c0_i32_1 = arith.constant 0 : i32
    %c0_i32_2 = arith.constant 0 : i32
    return %c0_i32, %arg0, %c0_i32_0, %c0_i32_1 : i32, i32, i32, i32
  }
  func.func @transform_5(%arg0: i32) -> (i32, i32) {
    %c0_i32 = arith.constant 0 : i32
    %c0_i32_0 = arith.constant 0 : i32
    %c0_i32_1 = arith.constant 0 : i32
    return %c0_i32, %c0_i32_0 : i32, i32
  }
  func.func @transform_6(%arg0: i32) -> (i32, i32) {
    %c0_i32 = arith.constant 0 : i32
    %c0_i32_0 = arith.constant 0 : i32
    %c0_i32_1 = arith.constant 0 : i32
    return %c0_i32, %c0_i32_0 : i32, i32
  }
}

module attributes {stable_mosaic.version = 14 : i64} {
  func.func @_final_body(%arg0: memref<2x1x10000xf32, #tpu.memory_space<vmem>>, %arg1: memref<2x1x10000xf32, #tpu.memory_space<vmem>>, %arg2: memref<2x1x10000xf32, #tpu.memory_space<vmem>>, %arg3: memref<1x2xf32, #tpu.memory_space<vmem>>, %arg4: memref<2x10000xf32, #tpu.memory_space<vmem>>) attributes {dimension_semantics = [], scalar_prefetch = 0 : i64, scratch_operands = 0 : i64, tpu.core_type = #tpu.core_type<tc>} {
    %get3A = arith.constant 0 : index
    %get3A_0 = arith.constant 0 : index
    %get3A_1 = arith.constant 0 : index
    %get3A_2 = vector.load %arg0[%get3A, %get3A_0, %get3A_1] : memref<2x1x10000xf32, #tpu.memory_space<vmem>>, vector<1x1x10000xf32>
    %get3A_3 = vector.shape_cast %get3A_2 : vector<1x1x10000xf32> to vector<10000xf32>
    %get3A_4 = arith.constant 1 : index
    %get3A_5 = arith.constant 0 : index
    %get3A_6 = arith.constant 0 : index
    %get3A_7 = vector.load %arg0[%get3A_4, %get3A_5, %get3A_6] : memref<2x1x10000xf32, #tpu.memory_space<vmem>>, vector<1x1x10000xf32>
    %get3A_8 = vector.shape_cast %get3A_7 : vector<1x1x10000xf32> to vector<10000xf32>
    %add3A = arith.addf %get3A_3, %get3A_8 : vector<10000xf32>
    %get3A_9 = arith.constant 0 : index
    %get3A_10 = arith.constant 0 : index
    %get3A_11 = arith.constant 0 : index
    %get3A_12 = vector.load %arg1[%get3A_9, %get3A_10, %get3A_11] : memref<2x1x10000xf32, #tpu.memory_space<vmem>>, vector<1x1x10000xf32>
    %get3A_13 = vector.shape_cast %get3A_12 : vector<1x1x10000xf32> to vector<10000xf32>
    %get3A_14 = arith.constant 1 : index
    %get3A_15 = arith.constant 0 : index
    %get3A_16 = arith.constant 0 : index
    %get3A_17 = vector.load %arg1[%get3A_14, %get3A_15, %get3A_16] : memref<2x1x10000xf32, #tpu.memory_space<vmem>>, vector<1x1x10000xf32>
    %get3A_18 = vector.shape_cast %get3A_17 : vector<1x1x10000xf32> to vector<10000xf32>
    %add3A_19 = arith.addf %get3A_13, %get3A_18 : vector<10000xf32>
    %get3A_20 = arith.constant 0 : index
    %get3A_21 = arith.constant 0 : index
    %get3A_22 = arith.constant 0 : index
    %get3A_23 = vector.load %arg2[%get3A_20, %get3A_21, %get3A_22] : memref<2x1x10000xf32, #tpu.memory_space<vmem>>, vector<1x1x10000xf32>
    %get3A_24 = vector.shape_cast %get3A_23 : vector<1x1x10000xf32> to vector<10000xf32>
    %get3A_25 = arith.constant 1 : index
    %get3A_26 = arith.constant 0 : index
    %get3A_27 = arith.constant 0 : index
    %get3A_28 = vector.load %arg2[%get3A_25, %get3A_26, %get3A_27] : memref<2x1x10000xf32, #tpu.memory_space<vmem>>, vector<1x1x10000xf32>
    %get3A_29 = vector.shape_cast %get3A_28 : vector<1x1x10000xf32> to vector<10000xf32>
    %add3A_30 = arith.addf %get3A_24, %get3A_29 : vector<10000xf32>
    %add3A_31 = arith.constant 1.000000e-16 : f32
    %add3A_32 = vector.broadcast %add3A_31 : f32 to vector<10000xf32>
    %add3A_33 = arith.addf %add3A, %add3A_32 : vector<10000xf32>
    %div3A = arith.constant 1.000000e+00 : f32
    %div3A_34 = vector.broadcast %div3A : f32 to vector<10000xf32>
    %div3A_35 = arith.divf %div3A_34, %add3A_33 : vector<10000xf32>
    %mul3A = arith.mulf %add3A_19, %div3A_35 : vector<10000xf32>
    %get3A_36 = arith.constant 0 : index
    %get3A_37 = arith.constant 0 : index
    %get3A_38 = vector.load %arg3[%get3A_36, %get3A_37] : memref<1x2xf32, #tpu.memory_space<vmem>>, vector<1x1xf32>
    %get3A_39 = vector.extract %get3A_38[0, 0] : f32 from vector<1x1xf32>
    %add3A_40 = vector.broadcast %get3A_39 : f32 to vector<10000xf32>
    %add3A_41 = arith.addf %mul3A, %add3A_40 : vector<10000xf32>
    %mul3A_42 = arith.mulf %add3A_30, %div3A_35 : vector<10000xf32>
    %get3A_43 = arith.constant 0 : index
    %get3A_44 = arith.constant 1 : index
    %get3A_45 = vector.load %arg3[%get3A_43, %get3A_44] : memref<1x2xf32, #tpu.memory_space<vmem>>, vector<1x1xf32>
    %get3A_46 = vector.extract %get3A_45[0, 0] : f32 from vector<1x1xf32>
    %add3A_47 = vector.broadcast %get3A_46 : f32 to vector<10000xf32>
    %add3A_48 = arith.addf %mul3A_42, %add3A_47 : vector<10000xf32>
    %max3A = arith.maximumf %add3A_41, %add3A_48 : vector<10000xf32>
    %sub3A = arith.subf %add3A_41, %max3A : vector<10000xf32>
    %exp3A = math.exp %sub3A : vector<10000xf32>
    %sub3A_49 = arith.subf %add3A_48, %max3A : vector<10000xf32>
    %exp3A_50 = math.exp %sub3A_49 : vector<10000xf32>
    %add3A_51 = arith.addf %exp3A, %exp3A_50 : vector<10000xf32>
    %log3A = math.log %add3A_51 : vector<10000xf32>
    %add3A_52 = arith.addf %max3A, %log3A : vector<10000xf32>
    %sub3A_53 = arith.subf %add3A_41, %add3A_52 : vector<10000xf32>
    %swap3A = arith.constant 0 : index
    %swap3A_54 = arith.constant 0 : index
    %swap3A_55 = vector.load %arg4[%swap3A, %swap3A_54] : memref<2x10000xf32, #tpu.memory_space<vmem>>, vector<1x10000xf32>
    %swap3A_56 = vector.shape_cast %swap3A_55 : vector<1x10000xf32> to vector<10000xf32>
    %swap3A_57 = vector.shape_cast %sub3A_53 : vector<10000xf32> to vector<1x10000xf32>
    tpu.vector_store %arg4[%swap3A, %swap3A_54], %swap3A_57 {strides = array<i32>} : memref<2x10000xf32, #tpu.memory_space<vmem>>, vector<1x10000xf32>,
    %sub3A_58 = arith.subf %add3A_48, %add3A_52 : vector<10000xf32>
    %swap3A_59 = arith.constant 1 : index
    %swap3A_60 = arith.constant 0 : index
    %swap3A_61 = vector.load %arg4[%swap3A_59, %swap3A_60] : memref<2x10000xf32, #tpu.memory_space<vmem>>, vector<1x10000xf32>
    %swap3A_62 = vector.shape_cast %swap3A_61 : vector<1x10000xf32> to vector<10000xf32>
    %swap3A_63 = vector.shape_cast %sub3A_58 : vector<10000xf32> to vector<1x10000xf32>
    tpu.vector_store %arg4[%swap3A_59, %swap3A_60], %swap3A_63 {strides = array<i32>} : memref<2x10000xf32, #tpu.memory_space<vmem>>, vector<1x10000xf32>,
    return
  }
}

</mosaic_0001>

<sc_bundles>
// kernel: kernel.10.cloned.1.call-start
scs
__scs_entry_jumppad:
0x0: {  	(pc) =	sbr.rel $0x88, $3  }
0x1: {  	(tag) =	ssettag $0x0;
	lr =	simm.s32 $0x1  }
0x2: {  	[smem:$0x3F95] =	sst lr;
	_ =	strace $0xD0000000  }
0x3: {  	_ = 	snop  }
0x4: {  	_ = 	snop  }
0x5: {  	_ = 	snop  }
0x6: {  	_ = 	snop  }
0x7: {  	_ = 	snop  }
__scs_overlays_trampoline_lowered:
0x8: {  	[smem:$0x3FA4] =	sst s0  }
0x9: {  	[smem:$0x3FA5] =	sst s1  }
0xa: {  	[smem:$0x3FA6] =	sst s2  }
0xb: {  	[smem:$0x3FA7] =	sst s3  }
0xc: {  	[smem:$0x3FA8] =	sst s4  }
0xd: {  	[smem:$0x3FA9] =	sst s5  }
0xe: {  	[smem:$0x3FAA] =	sst s6  }
0xf: {  	[smem:$0x3FAB] =	sst s7  }
0x10: {  	[smem:$0x3FAC] =	sst s8  }
0x11: {  	[smem:$0x3FAD] =	sst s9;
	s0 =	simm.s32 @!p0 $0x0  }
0x12: {  	s1 =	sld [smem:$0x3F93];
	s0 =	simm.s32 @p0 $0x1  }
0x13: {  	[smem:$0x3FAE] =	sst s0;
	s0 =	simm.s32 @!p1 $0x0  }
0x14: {  	s2 =	sld [smem:$0x3F92];
	s0 =	simm.s32 @p1 $0x1  }
0x15: {  	[smem:$0x3FAF] =	sst s0;
	s0 =	simm.s32 @!p2 $0x0  }
0x16: {  	s3 =	sld [smem:$0x3FDB];
	s0 =	simm.s32 @p2 $0x1  }
0x17: {  	s4 =	simm.s32 $0x1BF5;
	[smem:$0x3FB1] =	sst s0  }
0x18: {  	s0 =	sld [smem:$0x3F94];
	_ =	swait.ge [sflag:s4], $0x0  }
0x19: {  	s7 =	sld [smem:$0x3F95]  }
0x1a: {  	s8 =	sadd.s32 $0xFFFFE003, lr  }
0x1b: {  	s9 =	sadd.s32 $0xFFFFFEF7, lr;
	s5 =	simm.s32 $0xFFFFFFFF;
	p2 =	slt.u32 s8, $0xFFFFF086  }
0x1c: {  	p1 =	slt.u32 s9, $0xF7A;
	s5 =	simm.s32 @!p2 $0x0  }
0x1d: {  	s5 =	simm.s32 @p1 $0x1;
	p0 =	seq.s32 s7, s2  }
0x1e: {  	s7 =	smul.u32 @!p0 $0xF7A, s2;
	p2 =	seq.s32 @!p0 s5, $0x0  }
0x1f: {  	s9 =	smul.u32 $0xF7A, s1;
	s8 =	simm.s32 @!p0 $0x1BF5;
	p2 =	por !p2, p0  }
0x20: {  	[sflag:s8] =	ssyncset.s32 @!p0 $0xFFFFF086;
	s6 =	sadd.s32 @!p0 s3, s7;
	s7 =	simm.s32 @!p0 $0x108  }
0x21: {  	s3 =	sadd.s32 s3, s9;
	s6 =	sadd.s32 @!p0 $0x88, s6;
	s7 =	simm.s32 @p2 $0x1082  }
0x22: {  	[simem:s7], [sflag:s8] =	dma.local @!p0 [hbm:s6], $0xF7A  }
0x23: {  	s9 =	sor.u32 $0xD0000000, s2;
	s6 =	simm.s32 $0x108;
	_ =	swait.ge @!p0 [sflag:s8], $0x0  }
0x24: {  	s3 =	sadd.s32 $0x88, s3;
	s6 =	simm.s32 @!p1 $0x1082;
	[sflag:s4] =	ssyncset.s32 $0xFFFFF086  }
0x25: {  	[simem:s6], [sflag:s4] =	dma.local [hbm:s3], $0xF7A  }
0x26: {  	[smem:$0x3F95] =	sst s1;
	(tag) =	ssettag s2;
	_ =	strace s9  }
0x27: {  	s1 =	sld [smem:$0x3FA5]  }
0x28: {  	s2 =	sld [smem:$0x3FA6]  }
0x29: {  	s4 =	sld [smem:$0x3FA8]  }
0x2a: {  	p0 =	seq.s32 s5, $0x0;
	s5 =	sld [smem:$0x3FA9]  }
0x2b: {  	s6 =	sld [smem:$0x3FAA]  }
0x2c: {  	s7 =	sld [smem:$0x3FAB]  }
0x2d: {  	s3 =	simm.s32 $0x108;
	s8 =	sld [smem:$0x3FAC]  }
0x2e: {  	s3 =	simm.s32 @!p0 $0x1082;
	s9 =	sld [smem:$0x3FAD]  }
0x2f: {  	lr =	sadd.s32 s0, s3;
	s0 =	sld [smem:$0x3FA4]  }
0x30: {  	s3 =	sld [smem:$0x3FA7]  }
0x31: {  	[smem:$0x3FB0] =	sst s10  }
0x32: {  	s10 =	sld [smem:$0x3FAE];
	_ =	sdelay $0x3  }
0x33: {  	p0 =	seq.s32 s10, $0x1;
	s10 =	sld [smem:$0x3FB0];
	_ =	sdelay $0x3  }
0x34: {  	[smem:$0x3FB0] =	sst s10  }
0x35: {  	s10 =	sld [smem:$0x3FAF];
	_ =	sdelay $0x3  }
0x36: {  	p1 =	seq.s32 s10, $0x1;
	s10 =	sld [smem:$0x3FB0];
	_ =	sdelay $0x3  }
0x37: {  	[smem:$0x3FB0] =	sst s10  }
0x38: {  	s10 =	sld [smem:$0x3FB1]  }
0x39: {  	_ = 	snop;
	(pc) =	sbr.ind lr, $3  }
0x3a: {  	_ = 	snop  }
0x3b: {  	_ = 	snop  }
0x3c: {  	p2 =	seq.s32 s10, $0x1;
	s10 =	sld [smem:$0x3FB0]  }
0x3d: {  	_ =	shalt  }
0x3e: {  	_ =	shalt  }
0x3f: {  	_ =	shalt  }
0x40: {  	_ =	shalt  }
0x41: {  	_ =	shalt  }
0x42: {  	_ =	shalt  }
0x43: {  	_ =	shalt  }
0x44: {  	_ =	shalt  }
0x45: {  	_ =	shalt  }
0x46: {  	_ =	shalt  }
0x47: {  	_ =	shalt  }
0x48: {  	_ =	shalt  }
0x49: {  	_ =	shalt  }
0x4a: {  	_ =	shalt  }
0x4b: {  	_ =	shalt  }
0x4c: {  	_ =	shalt  }
0x4d: {  	_ =	shalt  }
0x4e: {  	_ =	shalt  }
0x4f: {  	_ =	shalt  }
0x50: {  	_ =	shalt  }
0x51: {  	_ =	shalt  }
0x52: {  	_ =	shalt  }
0x53: {  	_ =	shalt  }
0x54: {  	_ =	shalt  }
0x55: {  	_ =	shalt  }
0x56: {  	_ =	shalt  }
0x57: {  	_ =	shalt  }
0x58: {  	_ =	shalt  }
0x59: {  	_ =	shalt  }
0x5a: {  	_ =	shalt  }
0x5b: {  	_ =	shalt  }
0x5c: {  	_ =	shalt  }
0x5d: {  	_ =	shalt  }
0x5e: {  	_ =	shalt  }
0x5f: {  	_ =	shalt  }
0x60: {  	_ =	shalt  }
0x61: {  	_ =	shalt  }
0x62: {  	_ =	shalt  }
0x63: {  	_ =	shalt  }
0x64: {  	_ =	shalt  }
0x65: {  	_ =	shalt  }
0x66: {  	_ =	shalt  }
0x67: {  	_ =	shalt  }
0x68: {  	_ =	shalt  }
0x69: {  	_ =	shalt  }
0x6a: {  	_ =	shalt  }
0x6b: {  	_ =	shalt  }
0x6c: {  	_ =	shalt  }
0x6d: {  	_ =	shalt  }
0x6e: {  	_ =	shalt  }
0x6f: {  	_ =	shalt  }
0x70: {  	_ =	shalt  }
0x71: {  	_ =	shalt  }
0x72: {  	_ =	shalt  }
0x73: {  	_ =	shalt  }
0x74: {  	_ =	shalt  }
0x75: {  	_ =	shalt  }
0x76: {  	_ =	shalt  }
0x77: {  	_ =	shalt  }
0x78: {  	_ =	shalt  }
0x79: {  	_ =	shalt  }
0x7a: {  	_ =	shalt  }
0x7b: {  	_ =	shalt  }
0x7c: {  	_ =	shalt  }
0x7d: {  	_ =	shalt  }
0x7e: {  	_ =	shalt  }
0x7f: {  	_ =	shalt  }
0x80: {  	_ =	shalt  }
0x81: {  	_ =	shalt  }
0x82: {  	_ =	shalt  }
0x83: {  	_ =	shalt  }
0x84: {  	_ =	shalt  }
0x85: {  	_ =	shalt  }
0x86: {  	_ =	shalt  }
0x87: {  	_ =	shalt  }
.Lfunc_end0:
.L_simem_size_0:
called_computation_lowered:
.L_overlay_start_0:
0x88: {  	s2 =	sld [smem:$0x3FD9]  }
0x89: {  	s3 =	sld [smem:$0x3FFE];
	_ =	sdelay $0x1  }
0x8a: {  	s1 =	srdreg.scid  }
0x8b: {  	s0 =	sand.u32 $0x1, s1  }
0x8c: {  	s17 =	sshll.u32 s0, $0xA;
	s2 =	sadd.s32 s3, s2  }
0x8d: {  	s2 =	sadd.s32 s2, s17  }
0x8e: {  	[smem:$0x3FBC] =	sst s2  }
0x8f: {  	_ = 	snop  }
0x90: {  	s2 =	sld [smem:$0x3FD0];
	(tm) =	ssettm $0x1  }
0x91: {  	s18 =	sld [smem:$0x3FFB];
	_ =	sdelay $0x3  }
0x92: {  	_ =	strace s18  }
0x93: {  	s3 =	sld [smem:$0x3FFC];
	_ =	sdelay $0x3  }
0x94: {  	_ =	strace s3  }
0x95: {  	s3 =	sld [smem:$0x3FFD];
	_ =	sdelay $0x3  }
0x96: {  	_ =	strace s3  }
0x97: {  	_ =	strace $0x8FFFFFFF  }
0x98: {  	s19 =	sld [smem:$0x3FDB];
	_ =	sdelay $0x1  }
0x99: {  	s4 =	simm.s32 $_scs_section_size  }
0x9a: {  	s5 =	simm.s32 $_size__tile_overlayer_lowered;
	s6 =	simm.s32 $_tile_overlayer_lowered  }
0x9b: {  	s22 =	simm.s32 $0x1BFF;
	s21 =	sshll.u32 s6, $0x1;
	s3 =	sadd.s32 s4, s19  }
0x9c: {  	s7 =	simm.s32 $0x0;
	s20 =	sshll.u32 s5, $0x1;
	s5 =	sadd.s32 s21, s3  }
0x9d: {  	[timem:s7], [sflag:s22] =	dma.local [hbm:s5], s20  }
0x9e: {  	_ =	swait.ge [sflag:s22], s20  }
0x9f: {  	s4 =	ssub.s32 $0x0, s20;
	[sflag:s22] =	ssyncset.done $0x0  }
0xa0: {  	[sflag:s22] =	ssyncadd.s32 s4;
	_ =	sdelay $0x1  }
0xa1: {  	s23 =	simm.s32 $0x1B8B  }
0xa2: {  	_ =	swait.ge [sflag:s23], $0x1  }
0xa3: {  	[sflag:s23] =	ssyncset.done $0x0  }
0xa4: {  	s25 =	simm.s32 $0x1B8E;
	s24 =	sld [smem:$0x3FFE];
	[sflag:s23] =	ssyncadd.s32 $0xFFFFFFFF  }
0xa5: {  	s26 =	simm.s32 $execute0_lowered;
	[smem:$0x3FD2] =	sst s25  }
0xa6: {  	s5 =	sshll.u32 s26, $0x1;
	_ =	strace $0x80000046;
	[dreg:$0x1] =	wrdreg $0xFFFFFFFF  }
0xa7: {  	s28 =	simm.s32 $_size_execute0_lowered;
	s3 =	sadd.s32 s3, s5;
	[dreg:$0x0] =	wrdreg $0x0  }
0xa8: {  	s5 =	sshll.u32 s28, $0x1;
	[dreg:$0x2] =	wrdreg s3  }
0xa9: {  	[dreg:$0x3] =	wrdreg s5  }
0xaa: {  	[dreg:$0x4] =	wrdreg $0xC0  }
0xab: {  	_ =	task [dreg:s7], $0x5FFFF  }
0xac: {  	[dreg:$0x1] =	wrdreg $0xFFFFFFFF  }
0xad: {  	[dreg:$0x0] =	wrdreg $0x60  }
0xae: {  	[dreg:$0x2] =	wrdreg s24  }
0xaf: {  	[dreg:$0x3] =	wrdreg s2  }
0xb0: {  	[dreg:$0x4] =	wrdreg $0xA8800  }
0xb1: {  	[dreg:$0x5] =	wrdreg $0x1E1000  }
0xb2: {  	[dreg:$0x6] =	wrdreg $0x9  }
0xb3: {  	_ =	task.clear_ibuf [dreg:s7], $0x7FFFF;
	_ =	strace $0x90000046  }
0xb4: {  	s29 =	simm.s32 $0x9;
	_ =	strace $0x80000048  }
0xb5: {  	_ =	swait.ge [sflag:s29], $0x1  }
0xb6: {  	[sflag:s29] =	ssyncadd.s32 $0xFFFFFFFF  }
0xb7: {  	_ =	strace $0x90000048  }
0xb8: {  	_ =	sfence  }
0xb9: {  	s30 =	sld [smem:$0x0];
	_ =	sdelay $0x2  }
0xba: {  	s31 =	sshll.u32 s1, $0xD;
	s1 =	sshrl.u32 s1, $0x2  }
0xbb: {  	s3 =	sand.u32 $0x4000, s31;
	s1 =	sadd.s32 s1, s30  }
0xbc: {  	s0 =	sor.u32 s3, s0;
	s1 =	sshll.u32 s1, $0x11  }
0xbd: {  	s0 =	sor.u32 s1, s0  }
0xbe: {  	s0 =	sadd.s32 $0x8F2B, s0  }
0xbf: {  	[sflag:s0] =	ssyncadd.remote.s32 $0x1  }
0xc0: {  	_ =	sfence.sel $0xFFFF  }
0xc1: {  	[dreg:$0x0] =	wrdreg $0xFFFFFFFF;
	(pc) =	sbr.abs _section_cstart, $3  }
0xc2: {  	[dreg:$0x1] =	wrdreg $0xFFFFFFFF  }
0xc3: {  	_ =	task.clear_ibuf [dreg:s7], $0x2FFFF;
	_ =	strace $0x9FFFFFFF  }
0xc4: {  	(tm) =	ssettm $0x7FFFFFFF  }
0xc5: {  	_ =	shalt  }
tec
execute0_lowered:
.L_overlay_start_1:
0x0: {  	(tag) =	ssettag $0x1  }
0x1: {  	s8 =	rddreg [dreg:$0x0]  }
0x2: {  	s13 =	rddreg [dreg:$0x1]  }
0x3: {  	s1 =	rddreg [dreg:$0x2]  }
0x4: {  	s2 =	rddreg [dreg:$0x3]  }
0x5: {  	s0 =	rddreg [dreg:$0x4];
	s3 =	simm.s32 $0x0;
	s4 =	srdreg.scid  }
0x6: {  	s15 =	stileid.u32;
	s21 =	simm.s32 $0x8000;
	s22 =	simm.s32 $0x1  }
0x7: {  	s23 =	simm.s32 $0xA800;
	s24 =	simm.s32 $0x0;
	[smem:$0x7FF] =	sst s3  }
0x8: {  	s10 =	sand.u32 $0x1, s4;
	s5 =	sshll.u32 s15, $0xC;
	s11 =	smul.u32 $0x13800, s15  }
0x9: {  	s4 =	sadd.s32 $0x22C00, s8;
	s29 =	smul.u32 $0x4E000, s15;
	s14 =	sadd.s32 $0x71600, s8  }
0xa: {  	s30 =	sshll.u32 s15, $0x6;
	s19 =	sadd.s32 $0x138000, s1;
	s6 =	sshll.u32 s10, $0xB  }
0xb: {  	p0 =	sne.s32 s15, $0x0;
	_ =	strace $0x80000047;
	s18 =	smul.u32 $0x138800, s10  }
0xc: {  	s9 =	ssub.s32 $0x2, s10;
	s20 =	smul.u32 $0x4F0, s10;
	s5 =	sor.u32 s6, s5  }
0xd: {  	s28 =	sshrl.u32 s11, $0x3;
	s16 =	sshrl.u32 s9, $0x1;
	s6 =	sshrl.u32 s29, $0x2  }
0xe: {  	s12 =	sadd.s32 s5, s8;
	s7 =	sadd.s32 s28, s8;
	s5 =	sadd.s32 $0x49E00, s8  }
0xf: {  	s16 =	ssub.s32 s9, s16;
	s17 =	sadd.s32 s6, s1;
	s8 =	sadd.s32 $0x71400, s8  }
0x10: {  	s11 =	sadd.s32 s11, s18;
	s18 =	sshrl.u32 s18, $0x3;
	s13 =	sadd.s32 s13, s20  }
0x11: {  	s20 =	simm.s32 $0x50;
	s6 =	sadd.s32 $0x4A400, s7;
	s7 =	sor.u32 $0x1C02, s30  }
0x12: {  	s9 =	sadd.s32 $0x2C00, s12;
	s10 =	sadd.s32 $0x12C00, s12;
	s11 =	sshrl.u32 s11, $0x3  }
0x13: {  	s31 =	sadd.s32 s14, s18;
	s15 =	sshrl.u32 s17, $0x3;
	s17 =	sshrl.u32 @!p0 s19, $0x3  }
0x14: {  	s18 =	sshrl.u32 @!p0 s2, $0x3;
	s19 =	simm.s32 $0x4000;
	s11 =	sadd.s32 s14, s11  }
0x15: {  	v0 =	vimm.f32 $1.000000000e+00;
	s12 =	sadd.s32 $0x27000, s31;
	s14 =	smax.u32 s16, $0x1;
	s16 =	simm.s32 $0x2  }
.LBB2_1:
0x16: {  	[spmem:s15], [sflag:s7] =	dma.local [hbm:s6], $0x2700  }
0x17: {  	_ =	swait.ge [sflag:s16], $0x2700  }
0x18: {  	[sflag:s16] =	ssyncset.done $0x0  }
0x19: {  	s25 =	simm.s32 @!p0 $0x2;
	[sflag:s16] =	ssyncadd.s32 $0xFFFFD900  }
0x1a: {  	[spmem:s17], [sflag:s7] =	dma.local @!p0 [hbm:s8], $0x100  }
0x1b: {  	_ =	swait.ge @!p0 [sflag:s25], $0x100  }
0x1c: {  	[sflag:s25] =	ssyncset.done @!p0 $0x0  }
0x1d: {  	[sflag:s25] =	ssyncadd.s32 @!p0 $0xFFFFFF00  }
0x1e: {  	[spmem:s18], [sflag:s7] =	dma.local @!p0 [hbm:s5], $0x4F0  }
0x1f: {  	_ =	swait.ge @!p0 [sflag:s25], $0x4F0  }
0x20: {  	[sflag:s25] =	ssyncset.done @!p0 $0x0  }
0x21: {  	[sflag:s25] =	ssyncadd.s32 @!p0 $0xFFFFFB10  }
0x22: {  	[tilespmem:$0xA800] =	vst v0  }
0x23: {  	[tilespmem:$0xA810] =	vst v0  }
0x24: {  	[tilespmem:$0xA820] =	vst v0  }
0x25: {  	[tilespmem:$0xA830] =	vst v0  }
0x26: {  	[tilespmem:$0xA840] =	vst v0  }
0x27: {  	[tilespmem:s3], [sflag:$0x2] =	stream.linear.gather [hbm4b:s9+s3], $0x3E80, $0x38;
	[tilespmem:$0x1E378] =	vst v63  }
0x28: {  	_ =	swait.ge [sflag:s16], $0x3E80  }
0x29: {  	[sflag:s16] =	ssyncset.done $0x0  }
0x2a: {  	[sflag:s16] =	ssyncadd.s32 $0xFFFFC180  }
0x2b: {  	[tilespmem:s19], [sflag:$0x2] =	stream.linear.gather [hbm4b:s10+s3], $0x3E80, $0x38;
	[tilespmem:$0x1E378] =	vst v63  }
0x2c: {  	_ =	swait.ge [sflag:s16], $0x3E80  }
0x2d: {  	[sflag:s16] =	ssyncset.done $0x0  }
0x2e: {  	[sflag:s16] =	ssyncadd.s32 $0xFFFFC180  }
0x2f: {  	s30 =	simm.s32 $0x0;
	[bflag:$0x0] =	sbarrier.arrive $0xFFFF  }
0x30: {  	[tilespmem:s21], [sflag:$0x1] =	stream.indirect.gather [hbm4b:s4+s20], $0x80, s30, s20, $0xb8;
	[tilespmem:$0x1E378] =	vst v63  }
0x31: {  	_ =	swait.ge [sflag:s22], $0x2800  }
0x32: {  	[sflag:s22] =	ssyncset.done $0x0  }
0x33: {  	s31 =	simm.s32 $0x4000;
	[sflag:s22] =	ssyncadd.s32 $0xFFFFD800  }
0x34: {  	[spmem:s1] =	stream.indirect.scatter.add.f32 [tilespmem:s21], [sflag:$0x2], $0x80, s31, s20, $0xb8;
	[tilespmem:$0x1E378] =	vst v63  }
0x35: {  	_ =	swait.ge [sflag:s16], $0x2800  }
0x36: {  	[sflag:s16] =	ssyncset.done $0x0  }
0x37: {  	[sflag:s16] =	ssyncadd.s32 $0xFFFFD800  }
0x38: {  	[spmem:s2] =	stream.indirect.scatter.add.f32 [tilespmem:s23], [sflag:$0x2], $0x1, s31, s20, $0xb8;
	[tilespmem:$0x1E378] =	vst v63  }
0x39: {  	_ =	swait.ge [sflag:s16], $0x50  }
0x3a: {  	s26 =	simm.s32 $0x400;
	s25 =	simm.s32 $0x200;
	[sflag:s16] =	ssyncset.done $0x0  }
.LBB2_2:
0x3b: {  	s28 =	sshra.s32 s25, $0x2  }
0x3c: {  	[sflag:s16] =	ssyncadd.s32 $0xFFFFFFB0;
	s25 =	smov.u32 s26;
	s29 =	sadd.s32 $0x200, s26  }
0x3d: {  	[tilespmem:s21], [sflag:$0x1] =	stream.indirect.gather [hbm4b:s4+s20], $0x80, s28, s20, $0xb8;
	[tilespmem:$0x1E378] =	vst v63  }
0x3e: {  	p1 =	sne.s32 s26, $0xF800;
	_ =	swait.ge [sflag:s22], $0x2800  }
0x3f: {  	[sflag:s22] =	ssyncset.done $0x0  }
0x40: {  	s26 =	sadd.s32 $0x4000, s28;
	[sflag:s22] =	ssyncadd.s32 $0xFFFFD800  }
0x41: {  	[spmem:s1] =	stream.indirect.scatter.add.f32 [tilespmem:s21], [sflag:$0x2], $0x80, s26, s20, $0xb8;
	[tilespmem:$0x1E378] =	vst v63  }
0x42: {  	_ =	swait.ge [sflag:s16], $0x2800  }
.Ltmp0:
0x43: {  	[sflag:s16] =	ssyncset.done $0x0;
	(pc) =	sbr.rel @p1 .LBB2_2-.Ltmp0, $4  }
0x44: {  	[sflag:s16] =	ssyncadd.s32 $0xFFFFD800  }
0x45: {  	[spmem:s2] =	stream.indirect.scatter.add.f32 [tilespmem:s23], [sflag:$0x2], $0x1, s26, s20, $0xb8;
	[tilespmem:$0x1E378] =	vst v63  }
0x46: {  	_ =	swait.ge [sflag:s16], $0x50  }
0x47: {  	s26 =	smov.u32 s29;
	[sflag:s16] =	ssyncset.done $0x0  }
0x48: {  	s25 =	sshra.s32 s25, $0x2;
	[sflag:s16] =	ssyncadd.s32 $0xFFFFFFB0  }
0x49: {  	[tilespmem:s21], [sflag:$0x1] =	stream.indirect.gather [hbm4b:s4+s20], $0x80, s25, s20, $0xb8;
	[tilespmem:$0x1E378] =	vst v63  }
0x4a: {  	_ =	swait.ge [sflag:s22], $0x2800  }
0x4b: {  	[sflag:s22] =	ssyncset.done $0x0  }
0x4c: {  	s25 =	sadd.s32 $0x4000, s25;
	[sflag:s22] =	ssyncadd.s32 $0xFFFFD800  }
0x4d: {  	[spmem:s1] =	stream.indirect.scatter.add.f32 [tilespmem:s21], [sflag:$0x2], $0x80, s25, s20, $0xb8;
	[tilespmem:$0x1E378] =	vst v63  }
0x4e: {  	_ =	swait.ge [sflag:s16], $0x2800  }
0x4f: {  	[sflag:s16] =	ssyncset.done $0x0  }
0x50: {  	[sflag:s16] =	ssyncadd.s32 $0xFFFFD800  }
0x51: {  	[spmem:s2] =	stream.indirect.scatter.add.f32 [tilespmem:s23], [sflag:$0x2], $0x1, s25, s20, $0xb8;
	[tilespmem:$0x1E378] =	vst v63  }
0x52: {  	_ =	swait.ge [sflag:s16], $0x50  }
0x53: {  	[sflag:s16] =	ssyncset.done $0x0  }
0x54: {  	[sflag:s16] =	ssyncadd.s32 $0xFFFFFFB0  }
0x55: {  	[bflag:$0x0] =	sbarrier.arrive $0xFFFF  }
0x56: {  	[hbm:s11], [sflag:s7] =	dma.local [spmem:s15], $0x2700  }
0x57: {  	_ =	swait.ge [sflag:s16], $0x2700  }
0x58: {  	[sflag:s16] =	ssyncset.done $0x0  }
0x59: {  	s25 =	simm.s32 @!p0 $0x2;
	[sflag:s16] =	ssyncadd.s32 $0xFFFFD900  }
0x5a: {  	[hbm:s12], [sflag:s7] =	dma.local @!p0 [spmem:s17], $0x100  }
0x5b: {  	s24 =	sadd.s32 $0x1, s24;
	_ =	swait.ge @!p0 [sflag:s25], $0x100  }
0x5c: {  	p1 =	sne.s32 s24, s14;
	[sflag:s25] =	ssyncset.done @!p0 $0x0  }
.Ltmp1:
0x5d: {  	[sflag:s25] =	ssyncadd.s32 @!p0 $0xFFFFFF00;
	(pc) =	sbr.rel @p1 .LBB2_1-.Ltmp1, $4  }
0x5e: {  	[hbm:s13], [sflag:s7] =	dma.local @!p0 [spmem:s18], $0x4F0  }
0x5f: {  	_ =	swait.ge @!p0 [sflag:s25], $0x4F0  }
0x60: {  	[sflag:s25] =	ssyncset.done @!p0 $0x0  }
0x61: {  	[sflag:s25] =	ssyncadd.s32 @!p0 $0xFFFFFB10  }
0x62: {  	_ =	sfence.sel $0x180000  }
0x63: {  	[bflag:$0x0] =	sbarrier.arrive $0xFFFF  }
0x64: {  	_ =	strace $0x90000047  }
0x65: {  	s0 =	sadd.s32 @!p0 $0x100000, s0;
	[bflag:$0x2] =	sbarrier.arrive $0xFFFF  }
0x66: {  	[sflag:s0] =	ssyncadd.tile.s32 @!p0 $0x1;
	_ =	shalt  }
.Lfunc_end2:
_tile_overlayer_lowered:
.L_overlay_start_2:
0x67: {  	(tag) =	ssettag $0x2  }
0x68: {  	s0 =	rddreg [dreg:$0x0];
	s2 =	stileid.u32  }
0x69: {  	s1 =	rddreg [dreg:$0x1];
	p0 =	sne.s32 s2, $0x0  }
0x6a: {  	s3 =	rddreg [dreg:$0x2];
	[bflag:$0x3] =	sbarrier.arrive $0xFFFF;
	s2 =	simm.s32 @!p0 $0x1C02  }
0x6b: {  	[timem:s3], [sflag:s2] =	dma.local @!p0 [hbm:s0], s1  }
0x6c: {  	s0 =	simm.s32 @!p0 $0x2  }
0x6d: {  	_ =	swait.ge @!p0 [sflag:s0], s1  }
0x6e: {  	s1 =	ssub.s32 @!p0 $0x0, s1;
	[sflag:s0] =	ssyncset.done @!p0 $0x0  }
0x6f: {  	[sflag:s0] =	ssyncadd.s32 @!p0 s1  }
0x70: {  	[bflag:$0x3] =	sbarrier.arrive $0xFFFF  }
0x71: {  	_ =	shalt  }

// kernel: kernel.13.cloned.1.call-start
scs
__scs_entry_jumppad:
0x0: {  	(pc) =	sbr.rel $0x88, $3  }
0x1: {  	(tag) =	ssettag $0x0;
	lr =	simm.s32 $0x1  }
0x2: {  	[smem:$0x3F95] =	sst lr;
	_ =	strace $0xD0000000  }
0x3: {  	_ = 	snop  }
0x4: {  	_ = 	snop  }
0x5: {  	_ = 	snop  }
0x6: {  	_ = 	snop  }
0x7: {  	_ = 	snop  }
__scs_overlays_trampoline_lowered:
0x8: {  	[smem:$0x3FA4] =	sst s0  }
0x9: {  	[smem:$0x3FA5] =	sst s1  }
0xa: {  	[smem:$0x3FA6] =	sst s2  }
0xb: {  	[smem:$0x3FA7] =	sst s3  }
0xc: {  	[smem:$0x3FA8] =	sst s4  }
0xd: {  	[smem:$0x3FA9] =	sst s5  }
0xe: {  	[smem:$0x3FAA] =	sst s6  }
0xf: {  	[smem:$0x3FAB] =	sst s7  }
0x10: {  	[smem:$0x3FAC] =	sst s8  }
0x11: {  	[smem:$0x3FAD] =	sst s9;
	s0 =	simm.s32 @!p0 $0x0  }
0x12: {  	s1 =	sld [smem:$0x3F93];
	s0 =	simm.s32 @p0 $0x1  }
0x13: {  	[smem:$0x3FAE] =	sst s0;
	s0 =	simm.s32 @!p1 $0x0  }
0x14: {  	s2 =	sld [smem:$0x3F92];
	s0 =	simm.s32 @p1 $0x1  }
0x15: {  	[smem:$0x3FAF] =	sst s0;
	s0 =	simm.s32 @!p2 $0x0  }
0x16: {  	s3 =	sld [smem:$0x3FDB];
	s0 =	simm.s32 @p2 $0x1  }
0x17: {  	s4 =	simm.s32 $0x1BF5;
	[smem:$0x3FB1] =	sst s0  }
0x18: {  	s0 =	sld [smem:$0x3F94];
	_ =	swait.ge [sflag:s4], $0x0  }
0x19: {  	s7 =	sld [smem:$0x3F95]  }
0x1a: {  	s8 =	sadd.s32 $0xFFFFE003, lr  }
0x1b: {  	s9 =	sadd.s32 $0xFFFFFEF7, lr;
	s5 =	simm.s32 $0xFFFFFFFF;
	p2 =	slt.u32 s8, $0xFFFFF086  }
0x1c: {  	p1 =	slt.u32 s9, $0xF7A;
	s5 =	simm.s32 @!p2 $0x0  }
0x1d: {  	s5 =	simm.s32 @p1 $0x1;
	p0 =	seq.s32 s7, s2  }
0x1e: {  	s7 =	smul.u32 @!p0 $0xF7A, s2;
	p2 =	seq.s32 @!p0 s5, $0x0  }
0x1f: {  	s9 =	smul.u32 $0xF7A, s1;
	s8 =	simm.s32 @!p0 $0x1BF5;
	p2 =	por !p2, p0  }
0x20: {  	[sflag:s8] =	ssyncset.s32 @!p0 $0xFFFFF086;
	s6 =	sadd.s32 @!p0 s3, s7;
	s7 =	simm.s32 @!p0 $0x108  }
0x21: {  	s3 =	sadd.s32 s3, s9;
	s6 =	sadd.s32 @!p0 $0x88, s6;
	s7 =	simm.s32 @p2 $0x1082  }
0x22: {  	[simem:s7], [sflag:s8] =	dma.local @!p0 [hbm:s6], $0xF7A  }
0x23: {  	s9 =	sor.u32 $0xD0000000, s2;
	s6 =	simm.s32 $0x108;
	_ =	swait.ge @!p0 [sflag:s8], $0x0  }
0x24: {  	s3 =	sadd.s32 $0x88, s3;
	s6 =	simm.s32 @!p1 $0x1082;
	[sflag:s4] =	ssyncset.s32 $0xFFFFF086  }
0x25: {  	[simem:s6], [sflag:s4] =	dma.local [hbm:s3], $0xF7A  }
0x26: {  	[smem:$0x3F95] =	sst s1;
	(tag) =	ssettag s2;
	_ =	strace s9  }
0x27: {  	s1 =	sld [smem:$0x3FA5]  }
0x28: {  	s2 =	sld [smem:$0x3FA6]  }
0x29: {  	s4 =	sld [smem:$0x3FA8]  }
0x2a: {  	p0 =	seq.s32 s5, $0x0;
	s5 =	sld [smem:$0x3FA9]  }
0x2b: {  	s6 =	sld [smem:$0x3FAA]  }
0x2c: {  	s7 =	sld [smem:$0x3FAB]  }
0x2d: {  	s3 =	simm.s32 $0x108;
	s8 =	sld [smem:$0x3FAC]  }
0x2e: {  	s3 =	simm.s32 @!p0 $0x1082;
	s9 =	sld [smem:$0x3FAD]  }
0x2f: {  	lr =	sadd.s32 s0, s3;
	s0 =	sld [smem:$0x3FA4]  }
0x30: {  	s3 =	sld [smem:$0x3FA7]  }
0x31: {  	[smem:$0x3FB0] =	sst s10  }
0x32: {  	s10 =	sld [smem:$0x3FAE];
	_ =	sdelay $0x3  }
0x33: {  	p0 =	seq.s32 s10, $0x1;
	s10 =	sld [smem:$0x3FB0];
	_ =	sdelay $0x3  }
0x34: {  	[smem:$0x3FB0] =	sst s10  }
0x35: {  	s10 =	sld [smem:$0x3FAF];
	_ =	sdelay $0x3  }
0x36: {  	p1 =	seq.s32 s10, $0x1;
	s10 =	sld [smem:$0x3FB0];
	_ =	sdelay $0x3  }
0x37: {  	[smem:$0x3FB0] =	sst s10  }
0x38: {  	s10 =	sld [smem:$0x3FB1]  }
0x39: {  	_ = 	snop;
	(pc) =	sbr.ind lr, $3  }
0x3a: {  	_ = 	snop  }
0x3b: {  	_ = 	snop  }
0x3c: {  	p2 =	seq.s32 s10, $0x1;
	s10 =	sld [smem:$0x3FB0]  }
0x3d: {  	_ =	shalt  }
0x3e: {  	_ =	shalt  }
0x3f: {  	_ =	shalt  }
0x40: {  	_ =	shalt  }
0x41: {  	_ =	shalt  }
0x42: {  	_ =	shalt  }
0x43: {  	_ =	shalt  }
0x44: {  	_ =	shalt  }
0x45: {  	_ =	shalt  }
0x46: {  	_ =	shalt  }
0x47: {  	_ =	shalt  }
0x48: {  	_ =	shalt  }
0x49: {  	_ =	shalt  }
0x4a: {  	_ =	shalt  }
0x4b: {  	_ =	shalt  }
0x4c: {  	_ =	shalt  }
0x4d: {  	_ =	shalt  }
0x4e: {  	_ =	shalt  }
0x4f: {  	_ =	shalt  }
0x50: {  	_ =	shalt  }
0x51: {  	_ =	shalt  }
0x52: {  	_ =	shalt  }
0x53: {  	_ =	shalt  }
0x54: {  	_ =	shalt  }
0x55: {  	_ =	shalt  }
0x56: {  	_ =	shalt  }
0x57: {  	_ =	shalt  }
0x58: {  	_ =	shalt  }
0x59: {  	_ =	shalt  }
0x5a: {  	_ =	shalt  }
0x5b: {  	_ =	shalt  }
0x5c: {  	_ =	shalt  }
0x5d: {  	_ =	shalt  }
0x5e: {  	_ =	shalt  }
0x5f: {  	_ =	shalt  }
0x60: {  	_ =	shalt  }
0x61: {  	_ =	shalt  }
0x62: {  	_ =	shalt  }
0x63: {  	_ =	shalt  }
0x64: {  	_ =	shalt  }
0x65: {  	_ =	shalt  }
0x66: {  	_ =	shalt  }
0x67: {  	_ =	shalt  }
0x68: {  	_ =	shalt  }
0x69: {  	_ =	shalt  }
0x6a: {  	_ =	shalt  }
0x6b: {  	_ =	shalt  }
0x6c: {  	_ =	shalt  }
0x6d: {  	_ =	shalt  }
0x6e: {  	_ =	shalt  }
0x6f: {  	_ =	shalt  }
0x70: {  	_ =	shalt  }
0x71: {  	_ =	shalt  }
0x72: {  	_ =	shalt  }
0x73: {  	_ =	shalt  }
0x74: {  	_ =	shalt  }
0x75: {  	_ =	shalt  }
0x76: {  	_ =	shalt  }
0x77: {  	_ =	shalt  }
0x78: {  	_ =	shalt  }
0x79: {  	_ =	shalt  }
0x7a: {  	_ =	shalt  }
0x7b: {  	_ =	shalt  }
0x7c: {  	_ =	shalt  }
0x7d: {  	_ =	shalt  }
0x7e: {  	_ =	shalt  }
0x7f: {  	_ =	shalt  }
0x80: {  	_ =	shalt  }
0x81: {  	_ =	shalt  }
0x82: {  	_ =	shalt  }
0x83: {  	_ =	shalt  }
0x84: {  	_ =	shalt  }
0x85: {  	_ =	shalt  }
0x86: {  	_ =	shalt  }
0x87: {  	_ =	shalt  }
.Lfunc_end0:
.L_simem_size_0:
called_computation.1_lowered:
.L_overlay_start_0:
0x88: {  	s2 =	sld [smem:$0x3FD9]  }
0x89: {  	s3 =	sld [smem:$0x3FFE];
	_ =	sdelay $0x1  }
0x8a: {  	s1 =	srdreg.scid  }
0x8b: {  	s0 =	sand.u32 $0x1, s1  }
0x8c: {  	s16 =	sshll.u32 s0, $0xA;
	s2 =	sadd.s32 s3, s2  }
0x8d: {  	s2 =	sadd.s32 s2, s16  }
0x8e: {  	[smem:$0x3FBC] =	sst s2  }
0x8f: {  	_ = 	snop  }
0x90: {  	(tm) =	ssettm $0x1  }
0x91: {  	s17 =	sld [smem:$0x3FFB];
	_ =	sdelay $0x3  }
0x92: {  	_ =	strace s17  }
0x93: {  	s2 =	sld [smem:$0x3FFC];
	_ =	sdelay $0x3  }
0x94: {  	_ =	strace s2  }
0x95: {  	s2 =	sld [smem:$0x3FFD];
	_ =	sdelay $0x3  }
0x96: {  	_ =	strace s2  }
0x97: {  	_ =	strace $0x8FFFFFFF  }
0x98: {  	s18 =	sld [smem:$0x3FDB];
	_ =	sdelay $0x1  }
0x99: {  	s19 =	simm.s32 $_scs_section_size  }
0x9a: {  	s4 =	simm.s32 $_size__tile_overlayer_lowered;
	s5 =	simm.s32 $_tile_overlayer_lowered  }
0x9b: {  	s22 =	simm.s32 $0x1BFF;
	s21 =	sshll.u32 s5, $0x1;
	s2 =	sadd.s32 s19, s18  }
0x9c: {  	s6 =	simm.s32 $0x0;
	s20 =	sshll.u32 s4, $0x1;
	s4 =	sadd.s32 s21, s2  }
0x9d: {  	[timem:s6], [sflag:s22] =	dma.local [hbm:s4], s20  }
0x9e: {  	_ =	swait.ge [sflag:s22], s20  }
0x9f: {  	s3 =	ssub.s32 $0x0, s20;
	[sflag:s22] =	ssyncset.done $0x0  }
0xa0: {  	[sflag:s22] =	ssyncadd.s32 s3;
	_ =	sdelay $0x1  }
0xa1: {  	s23 =	simm.s32 $0x1B8B  }
0xa2: {  	_ =	swait.ge [sflag:s23], $0x1  }
0xa3: {  	[sflag:s23] =	ssyncset.done $0x0  }
0xa4: {  	s25 =	simm.s32 $0x1B8E;
	s24 =	sld [smem:$0x3FFE];
	[sflag:s23] =	ssyncadd.s32 $0xFFFFFFFF  }
0xa5: {  	s26 =	simm.s32 $execute0_lowered;
	[smem:$0x3FD2] =	sst s25  }
0xa6: {  	s4 =	sshll.u32 s26, $0x1;
	_ =	strace $0x80000049;
	[dreg:$0x1] =	wrdreg $0xFFFFFFFF  }
0xa7: {  	s28 =	simm.s32 $_size_execute0_lowered;
	s2 =	sadd.s32 s2, s4;
	[dreg:$0x0] =	wrdreg $0x0  }
0xa8: {  	s4 =	sshll.u32 s28, $0x1;
	[dreg:$0x2] =	wrdreg s2  }
0xa9: {  	[dreg:$0x3] =	wrdreg s4  }
0xaa: {  	[dreg:$0x4] =	wrdreg $0xC0  }
0xab: {  	_ =	task [dreg:s6], $0x5FFFF  }
0xac: {  	[dreg:$0x1] =	wrdreg $0xFFFFFFFF  }
0xad: {  	[dreg:$0x0] =	wrdreg $0x60  }
0xae: {  	[dreg:$0x2] =	wrdreg s24  }
0xaf: {  	[dreg:$0x3] =	wrdreg $0xA8000  }
0xb0: {  	[dreg:$0x4] =	wrdreg $0x9  }
0xb1: {  	_ =	task.clear_ibuf [dreg:s6], $0x5FFFF;
	_ =	strace $0x90000049  }
0xb2: {  	s29 =	simm.s32 $0x9;
	_ =	strace $0x8000004B  }
0xb3: {  	_ =	swait.ge [sflag:s29], $0x1  }
0xb4: {  	[sflag:s29] =	ssyncadd.s32 $0xFFFFFFFF  }
0xb5: {  	_ =	strace $0x9000004B  }
0xb6: {  	_ =	sfence  }
0xb7: {  	s30 =	sld [smem:$0x0];
	_ =	sdelay $0x2  }
0xb8: {  	s31 =	sshll.u32 s1, $0xD;
	s1 =	sshrl.u32 s1, $0x2  }
0xb9: {  	s3 =	sand.u32 $0x4000, s31;
	s1 =	sadd.s32 s1, s30  }
0xba: {  	s0 =	sor.u32 s3, s0;
	s1 =	sshll.u32 s1, $0x11  }
0xbb: {  	s0 =	sor.u32 s1, s0  }
0xbc: {  	s0 =	sadd.s32 $0x8F2B, s0  }
0xbd: {  	[sflag:s0] =	ssyncadd.remote.s32 $0x1  }
0xbe: {  	_ =	sfence.sel $0xFFFF  }
0xbf: {  	[dreg:$0x0] =	wrdreg $0xFFFFFFFF;
	(pc) =	sbr.abs _section_cstart, $3  }
0xc0: {  	[dreg:$0x1] =	wrdreg $0xFFFFFFFF  }
0xc1: {  	_ =	task.clear_ibuf [dreg:s6], $0x2FFFF;
	_ =	strace $0x9FFFFFFF  }
0xc2: {  	(tm) =	ssettm $0x7FFFFFFF  }
0xc3: {  	_ =	shalt  }
tec
execute0_lowered:
.L_overlay_start_1:
0x0: {  	(tag) =	ssettag $0x1  }
0x1: {  	s6 =	rddreg [dreg:$0x0]  }
0x2: {  	s1 =	rddreg [dreg:$0x1]  }
0x3: {  	s0 =	rddreg [dreg:$0x2]  }
0x4: {  	s2 =	simm.s32 $0x0;
	s3 =	srdreg.scid;
	s12 =	stileid.u32  }
0x5: {  	s17 =	simm.s32 $0x8000;
	s18 =	simm.s32 $0x1;
	s19 =	simm.s32 $0x0  }
0x6: {  	[smem:$0x7FF] =	sst s2;
	s5 =	sand.u32 $0x1, s3;
	s8 =	smul.u32 $0x13800, s12  }
0x7: {  	s4 =	sshll.u32 s12, $0xC;
	s3 =	sadd.s32 $0x22C00, s6;
	s26 =	smul.u32 $0x4E000, s12  }
0x8: {  	s13 =	sadd.s32 $0x71600, s6;
	s29 =	sshll.u32 s12, $0x6;
	s15 =	sadd.s32 $0x138000, s1  }
0x9: {  	p0 =	sne.s32 s12, $0x0;
	_ =	strace $0x8000004A;
	s7 =	sshll.u32 s5, $0xB  }
0xa: {  	s10 =	ssub.s32 $0x2, s5;
	s30 =	smul.u32 $0x138800, s5;
	s5 =	sor.u32 $0x1C02, s29  }
0xb: {  	s4 =	sor.u32 s7, s4;
	s28 =	sshrl.u32 s8, $0x3;
	s11 =	sshrl.u32 s10, $0x1  }
0xc: {  	s7 =	sshrl.u32 s26, $0x2;
	s9 =	sadd.s32 s4, s6;
	s4 =	sadd.s32 s28, s6  }
0xd: {  	s11 =	ssub.s32 s10, s11;
	s14 =	sadd.s32 s7, s1;
	s6 =	sadd.s32 $0x71400, s6  }
0xe: {  	s16 =	sadd.s32 s8, s30;
	s10 =	sshrl.u32 s30, $0x3;
	s4 =	sadd.s32 $0x4A400, s4  }
0xf: {  	s7 =	sadd.s32 $0x2C00, s9;
	s8 =	sadd.s32 $0x12C00, s9;
	s31 =	sshrl.u32 s16, $0x3  }
0x10: {  	s10 =	sadd.s32 s13, s10;
	s11 =	smax.u32 s11, $0x1;
	s12 =	sshrl.u32 s14, $0x3  }
0x11: {  	s14 =	sshrl.u32 @!p0 s15, $0x3;
	s15 =	simm.s32 $0x4000;
	s16 =	simm.s32 $0x50  }
0x12: {  	s9 =	sadd.s32 s13, s31;
	s10 =	sadd.s32 $0x27000, s10;
	s13 =	simm.s32 $0x2  }
.LBB2_1:
0x13: {  	[spmem:s12], [sflag:s5] =	dma.local [hbm:s4], $0x2700  }
0x14: {  	_ =	swait.ge [sflag:s13], $0x2700  }
0x15: {  	[sflag:s13] =	ssyncset.done $0x0  }
0x16: {  	s20 =	simm.s32 @!p0 $0x2;
	[sflag:s13] =	ssyncadd.s32 $0xFFFFD900  }
0x17: {  	[spmem:s14], [sflag:s5] =	dma.local @!p0 [hbm:s6], $0x100  }
0x18: {  	_ =	swait.ge @!p0 [sflag:s20], $0x100  }
0x19: {  	[sflag:s20] =	ssyncset.done @!p0 $0x0  }
0x1a: {  	[sflag:s20] =	ssyncadd.s32 @!p0 $0xFFFFFF00  }
0x1b: {  	[tilespmem:s2], [sflag:$0x2] =	stream.linear.gather [hbm4b:s7+s2], $0x3E80, $0x38;
	[tilespmem:$0x1E080] =	vst v63  }
0x1c: {  	_ =	swait.ge [sflag:s13], $0x3E80  }
0x1d: {  	[sflag:s13] =	ssyncset.done $0x0  }
0x1e: {  	[sflag:s13] =	ssyncadd.s32 $0xFFFFC180  }
0x1f: {  	[tilespmem:s15], [sflag:$0x2] =	stream.linear.gather [hbm4b:s8+s2], $0x3E80, $0x38;
	[tilespmem:$0x1E080] =	vst v63  }
0x20: {  	_ =	swait.ge [sflag:s13], $0x3E80  }
0x21: {  	[sflag:s13] =	ssyncset.done $0x0  }
0x22: {  	[sflag:s13] =	ssyncadd.s32 $0xFFFFC180  }
0x23: {  	s30 =	simm.s32 $0x0;
	[bflag:$0x0] =	sbarrier.arrive $0xFFFF  }
0x24: {  	[tilespmem:s17], [sflag:$0x1] =	stream.indirect.gather [hbm4b:s3+s16], $0x80, s30, s16, $0xb8;
	[tilespmem:$0x1E080] =	vst v63  }
0x25: {  	_ =	swait.ge [sflag:s18], $0x2800  }
0x26: {  	[sflag:s18] =	ssyncset.done $0x0  }
0x27: {  	s31 =	simm.s32 $0x4000;
	[sflag:s18] =	ssyncadd.s32 $0xFFFFD800  }
0x28: {  	[spmem:s1] =	stream.indirect.scatter.add.f32 [tilespmem:s17], [sflag:$0x2], $0x80, s31, s16, $0xb8;
	[tilespmem:$0x1E080] =	vst v63  }
0x29: {  	_ =	swait.ge [sflag:s13], $0x2800  }
0x2a: {  	s21 =	simm.s32 $0x400;
	s20 =	simm.s32 $0x200;
	[sflag:s13] =	ssyncset.done $0x0  }
.LBB2_2:
0x2b: {  	s22 =	sshra.s32 s20, $0x2  }
0x2c: {  	[sflag:s13] =	ssyncadd.s32 $0xFFFFD800;
	s20 =	smov.u32 s21;
	s23 =	sadd.s32 $0x200, s21  }
0x2d: {  	[tilespmem:s17], [sflag:$0x1] =	stream.indirect.gather [hbm4b:s3+s16], $0x80, s22, s16, $0xb8;
	[tilespmem:$0x1E080] =	vst v63  }
0x2e: {  	p1 =	sne.s32 s21, $0xF800;
	_ =	swait.ge [sflag:s18], $0x2800  }
.Ltmp0:
0x2f: {  	[sflag:s18] =	ssyncset.done $0x0;
	(pc) =	sbr.rel @p1 .LBB2_2-.Ltmp0, $4  }
0x30: {  	s21 =	sadd.s32 $0x4000, s22;
	[sflag:s18] =	ssyncadd.s32 $0xFFFFD800  }
0x31: {  	[spmem:s1] =	stream.indirect.scatter.add.f32 [tilespmem:s17], [sflag:$0x2], $0x80, s21, s16, $0xb8;
	[tilespmem:$0x1E080] =	vst v63  }
0x32: {  	_ =	swait.ge [sflag:s13], $0x2800  }
0x33: {  	s21 =	smov.u32 s23;
	[sflag:s13] =	ssyncset.done $0x0  }
0x34: {  	s20 =	sshra.s32 s20, $0x2;
	[sflag:s13] =	ssyncadd.s32 $0xFFFFD800  }
0x35: {  	[tilespmem:s17], [sflag:$0x1] =	stream.indirect.gather [hbm4b:s3+s16], $0x80, s20, s16, $0xb8;
	[tilespmem:$0x1E080] =	vst v63  }
0x36: {  	_ =	swait.ge [sflag:s18], $0x2800  }
0x37: {  	[sflag:s18] =	ssyncset.done $0x0  }
0x38: {  	s20 =	sadd.s32 $0x4000, s20;
	[sflag:s18] =	ssyncadd.s32 $0xFFFFD800  }
0x39: {  	[spmem:s1] =	stream.indirect.scatter.add.f32 [tilespmem:s17], [sflag:$0x2], $0x80, s20, s16, $0xb8;
	[tilespmem:$0x1E080] =	vst v63  }
0x3a: {  	_ =	swait.ge [sflag:s13], $0x2800  }
0x3b: {  	[sflag:s13] =	ssyncset.done $0x0  }
0x3c: {  	[sflag:s13] =	ssyncadd.s32 $0xFFFFD800  }
0x3d: {  	[bflag:$0x0] =	sbarrier.arrive $0xFFFF  }
0x3e: {  	[hbm:s9], [sflag:s5] =	dma.local [spmem:s12], $0x2700  }
0x3f: {  	s19 =	sadd.s32 $0x1, s19;
	_ =	swait.ge [sflag:s13], $0x2700  }
0x40: {  	p1 =	sne.s32 s19, s11;
	[sflag:s13] =	ssyncset.done $0x0  }
.Ltmp1:
0x41: {  	s20 =	simm.s32 @!p0 $0x2;
	[sflag:s13] =	ssyncadd.s32 $0xFFFFD900;
	(pc) =	sbr.rel @p1 .LBB2_1-.Ltmp1, $4  }
0x42: {  	[hbm:s10], [sflag:s5] =	dma.local @!p0 [spmem:s14], $0x100  }
0x43: {  	_ =	swait.ge @!p0 [sflag:s20], $0x100  }
0x44: {  	[sflag:s20] =	ssyncset.done @!p0 $0x0  }
0x45: {  	[sflag:s20] =	ssyncadd.s32 @!p0 $0xFFFFFF00  }
0x46: {  	_ =	sfence.sel $0x180000  }
0x47: {  	[bflag:$0x0] =	sbarrier.arrive $0xFFFF  }
0x48: {  	_ =	strace $0x9000004A  }
0x49: {  	s0 =	sadd.s32 @!p0 $0x100000, s0;
	[bflag:$0x2] =	sbarrier.arrive $0xFFFF  }
0x4a: {  	[sflag:s0] =	ssyncadd.tile.s32 @!p0 $0x1;
	_ =	shalt  }
.Lfunc_end2:
_tile_overlayer_lowered:
.L_overlay_start_2:
0x4b: {  	(tag) =	ssettag $0x2  }
0x4c: {  	s0 =	rddreg [dreg:$0x0];
	s2 =	stileid.u32  }
0x4d: {  	s1 =	rddreg [dreg:$0x1];
	p0 =	sne.s32 s2, $0x0  }
0x4e: {  	s3 =	rddreg [dreg:$0x2];
	[bflag:$0x3] =	sbarrier.arrive $0xFFFF;
	s2 =	simm.s32 @!p0 $0x1C02  }
0x4f: {  	[timem:s3], [sflag:s2] =	dma.local @!p0 [hbm:s0], s1  }
0x50: {  	s0 =	simm.s32 @!p0 $0x2  }
0x51: {  	_ =	swait.ge @!p0 [sflag:s0], s1  }
0x52: {  	s1 =	ssub.s32 @!p0 $0x0, s1;
	[sflag:s0] =	ssyncset.done @!p0 $0x0  }
0x53: {  	[sflag:s0] =	ssyncadd.s32 @!p0 s1  }
0x54: {  	[bflag:$0x3] =	sbarrier.arrive $0xFFFF  }
0x55: {  	_ =	shalt  }

// kernel: kernel.16.cloned.1.call-start
scs
__scs_entry_jumppad:
0x0: {  	(pc) =	sbr.rel $0x88, $3  }
0x1: {  	(tag) =	ssettag $0x0;
	lr =	simm.s32 $0x1  }
0x2: {  	[smem:$0x3F95] =	sst lr;
	_ =	strace $0xD0000000  }
0x3: {  	_ = 	snop  }
0x4: {  	_ = 	snop  }
0x5: {  	_ = 	snop  }
0x6: {  	_ = 	snop  }
0x7: {  	_ = 	snop  }
__scs_overlays_trampoline_lowered:
0x8: {  	[smem:$0x3FA4] =	sst s0  }
0x9: {  	[smem:$0x3FA5] =	sst s1  }
0xa: {  	[smem:$0x3FA6] =	sst s2  }
0xb: {  	[smem:$0x3FA7] =	sst s3  }
0xc: {  	[smem:$0x3FA8] =	sst s4  }
0xd: {  	[smem:$0x3FA9] =	sst s5  }
0xe: {  	[smem:$0x3FAA] =	sst s6  }
0xf: {  	[smem:$0x3FAB] =	sst s7  }
0x10: {  	[smem:$0x3FAC] =	sst s8  }
0x11: {  	[smem:$0x3FAD] =	sst s9;
	s0 =	simm.s32 @!p0 $0x0  }
0x12: {  	s1 =	sld [smem:$0x3F93];
	s0 =	simm.s32 @p0 $0x1  }
0x13: {  	[smem:$0x3FAE] =	sst s0;
	s0 =	simm.s32 @!p1 $0x0  }
0x14: {  	s2 =	sld [smem:$0x3F92];
	s0 =	simm.s32 @p1 $0x1  }
0x15: {  	[smem:$0x3FAF] =	sst s0;
	s0 =	simm.s32 @!p2 $0x0  }
0x16: {  	s3 =	sld [smem:$0x3FDB];
	s0 =	simm.s32 @p2 $0x1  }
0x17: {  	s4 =	simm.s32 $0x1BF5;
	[smem:$0x3FB1] =	sst s0  }
0x18: {  	s0 =	sld [smem:$0x3F94];
	_ =	swait.ge [sflag:s4], $0x0  }
0x19: {  	s7 =	sld [smem:$0x3F95]  }
0x1a: {  	s8 =	sadd.s32 $0xFFFFE003, lr  }
0x1b: {  	s9 =	sadd.s32 $0xFFFFFEF7, lr;
	s5 =	simm.s32 $0xFFFFFFFF;
	p2 =	slt.u32 s8, $0xFFFFF086  }
0x1c: {  	p1 =	slt.u32 s9, $0xF7A;
	s5 =	simm.s32 @!p2 $0x0  }
0x1d: {  	s5 =	simm.s32 @p1 $0x1;
	p0 =	seq.s32 s7, s2  }
0x1e: {  	s7 =	smul.u32 @!p0 $0xF7A, s2;
	p2 =	seq.s32 @!p0 s5, $0x0  }
0x1f: {  	s9 =	smul.u32 $0xF7A, s1;
	s8 =	simm.s32 @!p0 $0x1BF5;
	p2 =	por !p2, p0  }
0x20: {  	[sflag:s8] =	ssyncset.s32 @!p0 $0xFFFFF086;
	s6 =	sadd.s32 @!p0 s3, s7;
	s7 =	simm.s32 @!p0 $0x108  }
0x21: {  	s3 =	sadd.s32 s3, s9;
	s6 =	sadd.s32 @!p0 $0x88, s6;
	s7 =	simm.s32 @p2 $0x1082  }
0x22: {  	[simem:s7], [sflag:s8] =	dma.local @!p0 [hbm:s6], $0xF7A  }
0x23: {  	s9 =	sor.u32 $0xD0000000, s2;
	s6 =	simm.s32 $0x108;
	_ =	swait.ge @!p0 [sflag:s8], $0x0  }
0x24: {  	s3 =	sadd.s32 $0x88, s3;
	s6 =	simm.s32 @!p1 $0x1082;
	[sflag:s4] =	ssyncset.s32 $0xFFFFF086  }
0x25: {  	[simem:s6], [sflag:s4] =	dma.local [hbm:s3], $0xF7A  }
0x26: {  	[smem:$0x3F95] =	sst s1;
	(tag) =	ssettag s2;
	_ =	strace s9  }
0x27: {  	s1 =	sld [smem:$0x3FA5]  }
0x28: {  	s2 =	sld [smem:$0x3FA6]  }
0x29: {  	s4 =	sld [smem:$0x3FA8]  }
0x2a: {  	p0 =	seq.s32 s5, $0x0;
	s5 =	sld [smem:$0x3FA9]  }
0x2b: {  	s6 =	sld [smem:$0x3FAA]  }
0x2c: {  	s7 =	sld [smem:$0x3FAB]  }
0x2d: {  	s3 =	simm.s32 $0x108;
	s8 =	sld [smem:$0x3FAC]  }
0x2e: {  	s3 =	simm.s32 @!p0 $0x1082;
	s9 =	sld [smem:$0x3FAD]  }
0x2f: {  	lr =	sadd.s32 s0, s3;
	s0 =	sld [smem:$0x3FA4]  }
0x30: {  	s3 =	sld [smem:$0x3FA7]  }
0x31: {  	[smem:$0x3FB0] =	sst s10  }
0x32: {  	s10 =	sld [smem:$0x3FAE];
	_ =	sdelay $0x3  }
0x33: {  	p0 =	seq.s32 s10, $0x1;
	s10 =	sld [smem:$0x3FB0];
	_ =	sdelay $0x3  }
0x34: {  	[smem:$0x3FB0] =	sst s10  }
0x35: {  	s10 =	sld [smem:$0x3FAF];
	_ =	sdelay $0x3  }
0x36: {  	p1 =	seq.s32 s10, $0x1;
	s10 =	sld [smem:$0x3FB0];
	_ =	sdelay $0x3  }
0x37: {  	[smem:$0x3FB0] =	sst s10  }
0x38: {  	s10 =	sld [smem:$0x3FB1]  }
0x39: {  	_ = 	snop;
	(pc) =	sbr.ind lr, $3  }
0x3a: {  	_ = 	snop  }
0x3b: {  	_ = 	snop  }
0x3c: {  	p2 =	seq.s32 s10, $0x1;
	s10 =	sld [smem:$0x3FB0]  }
0x3d: {  	_ =	shalt  }
0x3e: {  	_ =	shalt  }
0x3f: {  	_ =	shalt  }
0x40: {  	_ =	shalt  }
0x41: {  	_ =	shalt  }
0x42: {  	_ =	shalt  }
0x43: {  	_ =	shalt  }
0x44: {  	_ =	shalt  }
0x45: {  	_ =	shalt  }
0x46: {  	_ =	shalt  }
0x47: {  	_ =	shalt  }
0x48: {  	_ =	shalt  }
0x49: {  	_ =	shalt  }
0x4a: {  	_ =	shalt  }
0x4b: {  	_ =	shalt  }
0x4c: {  	_ =	shalt  }
0x4d: {  	_ =	shalt  }
0x4e: {  	_ =	shalt  }
0x4f: {  	_ =	shalt  }
0x50: {  	_ =	shalt  }
0x51: {  	_ =	shalt  }
0x52: {  	_ =	shalt  }
0x53: {  	_ =	shalt  }
0x54: {  	_ =	shalt  }
0x55: {  	_ =	shalt  }
0x56: {  	_ =	shalt  }
0x57: {  	_ =	shalt  }
0x58: {  	_ =	shalt  }
0x59: {  	_ =	shalt  }
0x5a: {  	_ =	shalt  }
0x5b: {  	_ =	shalt  }
0x5c: {  	_ =	shalt  }
0x5d: {  	_ =	shalt  }
0x5e: {  	_ =	shalt  }
0x5f: {  	_ =	shalt  }
0x60: {  	_ =	shalt  }
0x61: {  	_ =	shalt  }
0x62: {  	_ =	shalt  }
0x63: {  	_ =	shalt  }
0x64: {  	_ =	shalt  }
0x65: {  	_ =	shalt  }
0x66: {  	_ =	shalt  }
0x67: {  	_ =	shalt  }
0x68: {  	_ =	shalt  }
0x69: {  	_ =	shalt  }
0x6a: {  	_ =	shalt  }
0x6b: {  	_ =	shalt  }
0x6c: {  	_ =	shalt  }
0x6d: {  	_ =	shalt  }
0x6e: {  	_ =	shalt  }
0x6f: {  	_ =	shalt  }
0x70: {  	_ =	shalt  }
0x71: {  	_ =	shalt  }
0x72: {  	_ =	shalt  }
0x73: {  	_ =	shalt  }
0x74: {  	_ =	shalt  }
0x75: {  	_ =	shalt  }
0x76: {  	_ =	shalt  }
0x77: {  	_ =	shalt  }
0x78: {  	_ =	shalt  }
0x79: {  	_ =	shalt  }
0x7a: {  	_ =	shalt  }
0x7b: {  	_ =	shalt  }
0x7c: {  	_ =	shalt  }
0x7d: {  	_ =	shalt  }
0x7e: {  	_ =	shalt  }
0x7f: {  	_ =	shalt  }
0x80: {  	_ =	shalt  }
0x81: {  	_ =	shalt  }
0x82: {  	_ =	shalt  }
0x83: {  	_ =	shalt  }
0x84: {  	_ =	shalt  }
0x85: {  	_ =	shalt  }
0x86: {  	_ =	shalt  }
0x87: {  	_ =	shalt  }
.Lfunc_end0:
.L_simem_size_0:
called_computation.2_lowered:
.L_overlay_start_0:
0x88: {  	s2 =	sld [smem:$0x3FD9]  }
0x89: {  	s3 =	sld [smem:$0x3FFE];
	_ =	sdelay $0x1  }
0x8a: {  	s1 =	srdreg.scid  }
0x8b: {  	s0 =	sand.u32 $0x1, s1  }
0x8c: {  	s17 =	sshll.u32 s0, $0xA;
	s2 =	sadd.s32 s3, s2  }
0x8d: {  	s2 =	sadd.s32 s2, s17  }
0x8e: {  	[smem:$0x3FBC] =	sst s2  }
0x8f: {  	_ = 	snop  }
0x90: {  	s2 =	sld [smem:$0x3FD0];
	(tm) =	ssettm $0x1  }
0x91: {  	s18 =	sld [smem:$0x3FFB];
	_ =	sdelay $0x3  }
0x92: {  	_ =	strace s18  }
0x93: {  	s3 =	sld [smem:$0x3FFC];
	_ =	sdelay $0x3  }
0x94: {  	_ =	strace s3  }
0x95: {  	s3 =	sld [smem:$0x3FFD];
	_ =	sdelay $0x3  }
0x96: {  	_ =	strace s3  }
0x97: {  	_ =	strace $0x8FFFFFFF  }
0x98: {  	s19 =	sld [smem:$0x3FDB];
	_ =	sdelay $0x1  }
0x99: {  	s4 =	simm.s32 $_scs_section_size  }
0x9a: {  	s5 =	simm.s32 $_size__tile_overlayer_lowered;
	s6 =	simm.s32 $_tile_overlayer_lowered  }
0x9b: {  	s22 =	simm.s32 $0x1BFF;
	s21 =	sshll.u32 s6, $0x1;
	s3 =	sadd.s32 s4, s19  }
0x9c: {  	s7 =	simm.s32 $0x0;
	s20 =	sshll.u32 s5, $0x1;
	s5 =	sadd.s32 s21, s3  }
0x9d: {  	[timem:s7], [sflag:s22] =	dma.local [hbm:s5], s20  }
0x9e: {  	_ =	swait.ge [sflag:s22], s20  }
0x9f: {  	s4 =	ssub.s32 $0x0, s20;
	[sflag:s22] =	ssyncset.done $0x0  }
0xa0: {  	[sflag:s22] =	ssyncadd.s32 s4;
	_ =	sdelay $0x1  }
0xa1: {  	s23 =	simm.s32 $0x1B8B  }
0xa2: {  	_ =	swait.ge [sflag:s23], $0x1  }
0xa3: {  	[sflag:s23] =	ssyncset.done $0x0  }
0xa4: {  	s25 =	simm.s32 $0x1B8E;
	s24 =	sld [smem:$0x3FFE];
	[sflag:s23] =	ssyncadd.s32 $0xFFFFFFFF  }
0xa5: {  	s26 =	simm.s32 $execute0_lowered;
	[smem:$0x3FD2] =	sst s25  }
0xa6: {  	s5 =	sshll.u32 s26, $0x1;
	_ =	strace $0x8000004C;
	[dreg:$0x1] =	wrdreg $0xFFFFFFFF  }
0xa7: {  	s28 =	simm.s32 $_size_execute0_lowered;
	s3 =	sadd.s32 s3, s5;
	[dreg:$0x0] =	wrdreg $0x0  }
0xa8: {  	s5 =	sshll.u32 s28, $0x1;
	[dreg:$0x2] =	wrdreg s3  }
0xa9: {  	[dreg:$0x3] =	wrdreg s5  }
0xaa: {  	[dreg:$0x4] =	wrdreg $0xC0  }
0xab: {  	_ =	task [dreg:s7], $0x5FFFF  }
0xac: {  	[dreg:$0x1] =	wrdreg $0xFFFFFFFF  }
0xad: {  	[dreg:$0x0] =	wrdreg $0x60  }
0xae: {  	[dreg:$0x2] =	wrdreg s24  }
0xaf: {  	[dreg:$0x3] =	wrdreg s2  }
0xb0: {  	[dreg:$0x4] =	wrdreg $0x120000  }
0xb1: {  	[dreg:$0x5] =	wrdreg $0x122780  }
0xb2: {  	[dreg:$0x6] =	wrdreg $0x124F00  }
0xb3: {  	[dreg:$0x7] =	wrdreg $0x9  }
0xb4: {  	_ =	task.clear_ibuf [dreg:s7], $0x8FFFF;
	_ =	strace $0x9000004C  }
0xb5: {  	s29 =	simm.s32 $0x9;
	_ =	strace $0x8000004E  }
0xb6: {  	_ =	swait.ge [sflag:s29], $0x1  }
0xb7: {  	[sflag:s29] =	ssyncadd.s32 $0xFFFFFFFF  }
0xb8: {  	_ =	strace $0x9000004E  }
0xb9: {  	_ =	sfence  }
0xba: {  	s30 =	sld [smem:$0x0];
	_ =	sdelay $0x2  }
0xbb: {  	s31 =	sshll.u32 s1, $0xD;
	s1 =	sshrl.u32 s1, $0x2  }
0xbc: {  	s3 =	sand.u32 $0x4000, s31;
	s1 =	sadd.s32 s1, s30  }
0xbd: {  	s0 =	sor.u32 s3, s0;
	s1 =	sshll.u32 s1, $0x11  }
0xbe: {  	s0 =	sor.u32 s1, s0  }
0xbf: {  	s0 =	sadd.s32 $0x8F2B, s0  }
0xc0: {  	[sflag:s0] =	ssyncadd.remote.s32 $0x1  }
0xc1: {  	_ =	sfence.sel $0xFFFF  }
0xc2: {  	[dreg:$0x0] =	wrdreg $0xFFFFFFFF;
	(pc) =	sbr.abs _section_cstart, $3  }
0xc3: {  	[dreg:$0x1] =	wrdreg $0xFFFFFFFF  }
0xc4: {  	_ =	task.clear_ibuf [dreg:s7], $0x2FFFF;
	_ =	strace $0x9FFFFFFF  }
0xc5: {  	(tm) =	ssettm $0x7FFFFFFF  }
tec
execute0_lowered:
.L_overlay_start_1:
0x0: {  	(tag) =	ssettag $0x1  }
0x1: {  	s0 =	rddreg [dreg:$0x0]  }
0x2: {  	s13 =	rddreg [dreg:$0x1]  }
0x3: {  	s1 =	rddreg [dreg:$0x2]  }
0x4: {  	s2 =	rddreg [dreg:$0x3]  }
0x5: {  	s3 =	rddreg [dreg:$0x4];
	s5 =	srdreg.scid;
	s4 =	simm.s32 $0x0  }
0x6: {  	s17 =	stileid.u32;
	s20 =	simm.s32 $0x1;
	s21 =	simm.s32 $0x2780  }
0x7: {  	s22 =	simm.s32 $0x4F00;
	s23 =	simm.s32 $0x7680;
	s28 =	simm.s32 $0x50  }
0x8: {  	s29 =	simm.s32 $0x11E00;
	s30 =	simm.s32 $0x11E80;
	s31 =	simm.s32 $0x11F00  }
0x9: {  	s6 =	sand.u32 $0x1, s5;
	[smem:$0x7FF] =	sst s4;
	s7 =	sshll.u32 s17, $0xC  }
0xa: {  	s5 =	sadd.s32 $0x22C00, s0;
	s10 =	sadd.s32 $0x23AD0, s0;
	p0 =	sne.s32 s17, $0x0  }
0xb: {  	s8 =	sshll.u32 s6, $0xB;
	_ =	strace $0x8000004D;
	s14 =	smul.u32 $0x4F0, s6  }
0xc: {  	s26 =	ssub.s32 $0x2, s6;
	s6 =	sadd.s32 $0x49E00, s0;
	s17 =	sshrl.u32 @!p0 s1, $0x3  }
0xd: {  	s18 =	sshrl.u32 @!p0 s2, $0x3;
	s19 =	sshrl.u32 @!p0 s3, $0x3;
	s7 =	sor.u32 s8, s7  }
0xe: {  	s9 =	sshrl.u32 s26, $0x1;
	s8 =	sadd.s32 $0x230F0, s0;
	s12 =	sadd.s32 s7, s0  }
0xf: {  	s7 =	sadd.s32 $0x24000, s0;
	s15 =	sadd.s32 s14, s0;
	s16 =	ssub.s32 s26, s9  }
0x10: {  	s9 =	sadd.s32 $0x235E0, s0;
	s13 =	sadd.s32 s13, s14;
	s26 =	simm.s32 $0xDE00  }
0x11: {  	s0 =	simm.s32 $0x0;
	s11 =	sadd.s32 $0x2C00, s12;
	s12 =	sadd.s32 $0x12C00, s12  }
0x12: {  	s14 =	sadd.s32 $0x24200, s15;
	s15 =	sadd.s32 $0x24C00, s15;
	s16 =	smax.u32 s16, $0x1  }
.LBB2_1:
0x13: {  	s24 =	simm.s32 @!p0 $0x1C01;
	s25 =	simm.s32 @!p0 $0x1  }
0x14: {  	[spmem:s17], [sflag:s24] =	dma.local @!p0 [hbm:s6], $0x4F0  }
0x15: {  	_ =	swait.ge @!p0 [sflag:s25], $0x4F0  }
0x16: {  	[sflag:s25] =	ssyncset.done @!p0 $0x0  }
0x17: {  	[sflag:s25] =	ssyncadd.s32 @!p0 $0xFFFFFB10  }
0x18: {  	[spmem:s18], [sflag:s24] =	dma.local @!p0 [hbm:s6], $0x4F0  }
0x19: {  	_ =	swait.ge @!p0 [sflag:s25], $0x4F0  }
0x1a: {  	[sflag:s25] =	ssyncset.done @!p0 $0x0  }
0x1b: {  	[sflag:s25] =	ssyncadd.s32 @!p0 $0xFFFFFB10  }
0x1c: {  	[spmem:s19], [sflag:s24] =	dma.local @!p0 [hbm:s6], $0x4F0  }
0x1d: {  	_ =	swait.ge @!p0 [sflag:s25], $0x4F0  }
0x1e: {  	[sflag:s25] =	ssyncset.done @!p0 $0x0  }
0x1f: {  	[sflag:s25] =	ssyncadd.s32 @!p0 $0xFFFFFB10  }
0x20: {  	[tilespmem:s4], [sflag:$0x1] =	stream.linear.gather [hbm4b:s5+s4], $0x2780, $0x38;
	[tilespmem:$0x12768] =	vst v63  }
0x21: {  	_ =	swait.ge [sflag:s20], $0x2780  }
0x22: {  	[sflag:s20] =	ssyncset.done $0x0  }
0x23: {  	[sflag:s20] =	ssyncadd.s32 $0xFFFFD880  }
0x24: {  	[tilespmem:s21], [sflag:$0x1] =	stream.linear.gather [hbm4b:s8+s4], $0x2780, $0x38;
	[tilespmem:$0x12768] =	vst v63  }
0x25: {  	_ =	swait.ge [sflag:s20], $0x2780  }
0x26: {  	[sflag:s20] =	ssyncset.done $0x0  }
0x27: {  	[sflag:s20] =	ssyncadd.s32 $0xFFFFD880  }
0x28: {  	[tilespmem:s22], [sflag:$0x1] =	stream.linear.gather [hbm4b:s9+s4], $0x2780, $0x38;
	[tilespmem:$0x12768] =	vst v63  }
0x29: {  	_ =	swait.ge [sflag:s20], $0x2780  }
0x2a: {  	[sflag:s20] =	ssyncset.done $0x0  }
0x2b: {  	[sflag:s20] =	ssyncadd.s32 $0xFFFFD880  }
0x2c: {  	[tilespmem:s23], [sflag:$0x1] =	stream.linear.gather [hbm4b:s10+s4], $0x2780, $0x38;
	[tilespmem:$0x12768] =	vst v63  }
0x2d: {  	_ =	swait.ge [sflag:s20], $0x2780  }
0x2e: {  	[sflag:s20] =	ssyncset.done $0x0  }
0x2f: {  	s25 =	simm.s32 $0x11F80;
	[sflag:s20] =	ssyncadd.s32 $0xFFFFD880  }
0x30: {  	[tilespmem:s25], [sflag:$0x1] =	stream.linear.gather [hbm4b:s7+s4], $0x80, $0x38;
	[tilespmem:$0x12768] =	vst v63  }
0x31: {  	_ =	swait.ge [sflag:s20], $0x80  }
0x32: {  	[sflag:s20] =	ssyncset.done $0x0  }
0x33: {  	s25 =	simm.s32 $0x9E00;
	[sflag:s20] =	ssyncadd.s32 $0xFFFFFF80  }
0x34: {  	[tilespmem:s25], [sflag:$0x1] =	stream.linear.gather [hbm4b:s11+s4], $0x3E80, $0x38;
	[tilespmem:$0x12768] =	vst v63  }
0x35: {  	_ =	swait.ge [sflag:s20], $0x3E80  }
0x36: {  	[sflag:s20] =	ssyncset.done $0x0  }
0x37: {  	[sflag:s20] =	ssyncadd.s32 $0xFFFFC180  }
0x38: {  	[tilespmem:s26], [sflag:$0x1] =	stream.linear.gather [hbm4b:s12+s4], $0x3E80, $0x38;
	[tilespmem:$0x12768] =	vst v63  }
0x39: {  	_ =	swait.ge [sflag:s20], $0x3E80  }
0x3a: {  	[sflag:s20] =	ssyncset.done $0x0  }
0x3b: {  	[sflag:s20] =	ssyncadd.s32 $0xFFFFC180  }
0x3c: {  	[bflag:$0x0] =	sbarrier.arrive $0xFFFF  }
0x3d: {  	s24 =	simm.s32 $0x0;
	v0 =	vld [tilespmem:$0x11F80]  }
.LBB2_2:
0x3e: {  	s25 =	sshra.s32 s24, $0x2  }
0x3f: {  	v1 =	vld [tilespmem:s25+$0x9E00]  }
0x40: {  	v2 =	vld [tilespmem:s25+$0xDE00];
	_ =	sdelay $0x6  }
0x41: {  	v3 =	vld.idx.msk [tilespmem:v1+s4+$0x0], $0xffff  }
0x42: {  	v2 =	vld.idx.msk [tilespmem:v2+s21+$0x0], $0xffff;
	_ =	sdelay $0x4  }
0x43: {  	v2 =	vadd.f32 v2, v3;
	_ =	sdelay $0x1  }
0x44: {  	v3 =	vmul.f32 $2.000000030e-01, v2;
	_ =	sdelay $0x1  }
0x45: {  	v2 =	vmax.f32 v2, v3  }
0x46: {  	v2 =	vsub.f32 v2, v0;
	_ =	sdelay $0x1  }
0x47: {  	v2 =	vmul.f32 $1.442695020e+00, v2;
	_ =	sdelay $0x1  }
0x48: {  	(erf) = vpow2.f32 v2;
	_ =	sdelay $0x4  }
0x49: {  	v2 =	vld.idx.msk [tilespmem:v1+s22+$0x0], $0xffff  }
0x4a: {  	v1 =	vld.idx.msk [tilespmem:v1+s23+$0x0], $0xffff;
	_ =	sdelay $0x2  }
0x4b: {  	v3 =	vpop (erf)  }
0x4c: {  	v2 =	vmul.f32 v3, v2  }
0x4d: {  	[tilespmem:$0x11E00] =	vst v3;
	v1 =	vmul.f32 v3, v1  }
0x4e: {  	[tilespmem:$0x11E80] =	vst v2  }
0x4f: {  	[tilespmem:$0x11F00] =	vst v1  }
0x50: {  	v1 =	vld [tilespmem:s25+$0x9E10]  }
0x51: {  	v2 =	vld [tilespmem:s25+$0xDE10];
	_ =	sdelay $0x6  }
0x52: {  	v3 =	vld.idx.msk [tilespmem:v1+s4+$0x0], $0xffff  }
0x53: {  	v2 =	vld.idx.msk [tilespmem:v2+s21+$0x0], $0xffff;
	_ =	sdelay $0x4  }
0x54: {  	v2 =	vadd.f32 v2, v3;
	_ =	sdelay $0x1  }
0x55: {  	v3 =	vmul.f32 $2.000000030e-01, v2;
	_ =	sdelay $0x1  }
0x56: {  	v2 =	vmax.f32 v2, v3  }
0x57: {  	v2 =	vsub.f32 v2, v0;
	_ =	sdelay $0x1  }
0x58: {  	v2 =	vmul.f32 $1.442695020e+00, v2;
	_ =	sdelay $0x1  }
0x59: {  	(erf) = vpow2.f32 v2;
	_ =	sdelay $0x4  }
0x5a: {  	v2 =	vld.idx.msk [tilespmem:v1+s22+$0x0], $0xffff  }
0x5b: {  	v1 =	vld.idx.msk [tilespmem:v1+s23+$0x0], $0xffff;
	_ =	sdelay $0x2  }
0x5c: {  	v3 =	vpop (erf)  }
0x5d: {  	v2 =	vmul.f32 v3, v2  }
0x5e: {  	[tilespmem:$0x11E10] =	vst v3;
	v1 =	vmul.f32 v3, v1  }
0x5f: {  	[tilespmem:$0x11E90] =	vst v2  }
0x60: {  	[tilespmem:$0x11F10] =	vst v1  }
0x61: {  	v1 =	vld [tilespmem:s25+$0x9E20]  }
0x62: {  	v2 =	vld [tilespmem:s25+$0xDE20];
	_ =	sdelay $0x6  }
0x63: {  	v3 =	vld.idx.msk [tilespmem:v1+s4+$0x0], $0xffff  }
0x64: {  	v2 =	vld.idx.msk [tilespmem:v2+s21+$0x0], $0xffff;
	_ =	sdelay $0x4  }
0x65: {  	v2 =	vadd.f32 v2, v3;
	_ =	sdelay $0x1  }
0x66: {  	v3 =	vmul.f32 $2.000000030e-01, v2;
	_ =	sdelay $0x1  }
0x67: {  	v2 =	vmax.f32 v2, v3  }
0x68: {  	v2 =	vsub.f32 v2, v0;
	_ =	sdelay $0x1  }
0x69: {  	v2 =	vmul.f32 $1.442695020e+00, v2;
	_ =	sdelay $0x1  }
0x6a: {  	(erf) = vpow2.f32 v2;
	_ =	sdelay $0x4  }
0x6b: {  	v2 =	vld.idx.msk [tilespmem:v1+s22+$0x0], $0xffff  }
0x6c: {  	v1 =	vld.idx.msk [tilespmem:v1+s23+$0x0], $0xffff;
	_ =	sdelay $0x2  }
0x6d: {  	v3 =	vpop (erf)  }
0x6e: {  	v2 =	vmul.f32 v3, v2  }
0x6f: {  	[tilespmem:$0x11E20] =	vst v3;
	v1 =	vmul.f32 v3, v1  }
0x70: {  	[tilespmem:$0x11EA0] =	vst v2  }
0x71: {  	[tilespmem:$0x11F20] =	vst v1  }
0x72: {  	v1 =	vld [tilespmem:s25+$0x9E30]  }
0x73: {  	v2 =	vld [tilespmem:s25+$0xDE30];
	_ =	sdelay $0x6  }
0x74: {  	v3 =	vld.idx.msk [tilespmem:v1+s4+$0x0], $0xffff  }
0x75: {  	v2 =	vld.idx.msk [tilespmem:v2+s21+$0x0], $0xffff;
	_ =	sdelay $0x4  }
0x76: {  	v2 =	vadd.f32 v2, v3;
	_ =	sdelay $0x1  }
0x77: {  	v3 =	vmul.f32 $2.000000030e-01, v2;
	_ =	sdelay $0x1  }
0x78: {  	v2 =	vmax.f32 v2, v3  }
0x79: {  	v2 =	vsub.f32 v2, v0;
	_ =	sdelay $0x1  }
0x7a: {  	v2 =	vmul.f32 $1.442695020e+00, v2;
	_ =	sdelay $0x1  }
0x7b: {  	(erf) = vpow2.f32 v2;
	_ =	sdelay $0x4  }
0x7c: {  	v2 =	vld.idx.msk [tilespmem:v1+s22+$0x0], $0xffff  }
0x7d: {  	v1 =	vld.idx.msk [tilespmem:v1+s23+$0x0], $0xffff;
	_ =	sdelay $0x2  }
0x7e: {  	v3 =	vpop (erf)  }
0x7f: {  	v2 =	vmul.f32 v3, v2  }
0x80: {  	[tilespmem:$0x11E30] =	vst v3;
	v1 =	vmul.f32 v3, v1  }
0x81: {  	[tilespmem:$0x11EB0] =	vst v2  }
0x82: {  	[tilespmem:$0x11F30] =	vst v1  }
0x83: {  	v1 =	vld [tilespmem:s25+$0x9E40]  }
0x84: {  	v2 =	vld [tilespmem:s25+$0xDE40];
	_ =	sdelay $0x6  }
0x85: {  	v3 =	vld.idx.msk [tilespmem:v1+s4+$0x0], $0xffff  }
0x86: {  	v2 =	vld.idx.msk [tilespmem:v2+s21+$0x0], $0xffff;
	_ =	sdelay $0x4  }
0x87: {  	v2 =	vadd.f32 v2, v3;
	_ =	sdelay $0x1  }
0x88: {  	v3 =	vmul.f32 $2.000000030e-01, v2;
	_ =	sdelay $0x1  }
0x89: {  	v2 =	vmax.f32 v2, v3  }
0x8a: {  	v2 =	vsub.f32 v2, v0;
	_ =	sdelay $0x1  }
0x8b: {  	v2 =	vmul.f32 $1.442695020e+00, v2;
	_ =	sdelay $0x1  }
0x8c: {  	(erf) = vpow2.f32 v2;
	_ =	sdelay $0x4  }
0x8d: {  	v2 =	vld.idx.msk [tilespmem:v1+s22+$0x0], $0xffff  }
0x8e: {  	v1 =	vld.idx.msk [tilespmem:v1+s23+$0x0], $0xffff;
	_ =	sdelay $0x2  }
0x8f: {  	v3 =	vpop (erf)  }
0x90: {  	v2 =	vmul.f32 v3, v2  }
0x91: {  	[tilespmem:$0x11E40] =	vst v3;
	v1 =	vmul.f32 v3, v1  }
0x92: {  	[tilespmem:$0x11EC0] =	vst v2  }
0x93: {  	s25 =	sadd.s32 $0xDE00, s25;
	[tilespmem:$0x11F40] =	vst v1  }
0x94: {  	[spmem:s1] =	stream.indirect.scatter.add.f32 [tilespmem:s29], [sflag:$0x1], $0x1, s25, s28, $0xb8;
	[tilespmem:$0x12768] =	vst v63  }
0x95: {  	_ =	swait.ge [sflag:s20], $0x50  }
0x96: {  	[sflag:s20] =	ssyncset.done $0x0  }
0x97: {  	[sflag:s20] =	ssyncadd.s32 $0xFFFFFFB0  }
0x98: {  	[spmem:s2] =	stream.indirect.scatter.add.f32 [tilespmem:s30], [sflag:$0x1], $0x1, s25, s28, $0xb8;
	[tilespmem:$0x12768] =	vst v63  }
0x99: {  	_ =	swait.ge [sflag:s20], $0x50  }
0x9a: {  	p1 =	sne.s32 s24, $0xF800;
	[sflag:s20] =	ssyncset.done $0x0  }
.Ltmp0:
0x9b: {  	[sflag:s20] =	ssyncadd.s32 $0xFFFFFFB0;
	(pc) =	sbr.rel @p1 .LBB2_2-.Ltmp0, $4  }
0x9c: {  	[spmem:s3] =	stream.indirect.scatter.add.f32 [tilespmem:s31], [sflag:$0x1], $0x1, s25, s28, $0xb8;
	[tilespmem:$0x12768] =	vst v63  }
0x9d: {  	_ =	swait.ge [sflag:s20], $0x50  }
0x9e: {  	[sflag:s20] =	ssyncset.done $0x0  }
0x9f: {  	s24 =	sadd.s32 $0x200, s24;
	[sflag:s20] =	ssyncadd.s32 $0xFFFFFFB0  }
0xa0: {  	[bflag:$0x0] =	sbarrier.arrive $0xFFFF;
	s24 =	simm.s32 @!p0 $0x1C01;
	s25 =	simm.s32 @!p0 $0x1  }
0xa1: {  	[hbm:s13], [sflag:s24] =	dma.local @!p0 [spmem:s17], $0x4F0  }
0xa2: {  	_ =	swait.ge @!p0 [sflag:s25], $0x4F0  }
0xa3: {  	[sflag:s25] =	ssyncset.done @!p0 $0x0  }
0xa4: {  	[sflag:s25] =	ssyncadd.s32 @!p0 $0xFFFFFB10  }
0xa5: {  	[hbm:s14], [sflag:s24] =	dma.local @!p0 [spmem:s18], $0x4F0  }
0xa6: {  	s0 =	sadd.s32 $0x1, s0;
	_ =	swait.ge @!p0 [sflag:s25], $0x4F0  }
0xa7: {  	p1 =	sne.s32 s0, s16;
	[sflag:s25] =	ssyncset.done @!p0 $0x0  }
.Ltmp1:
0xa8: {  	[sflag:s25] =	ssyncadd.s32 @!p0 $0xFFFFFB10;
	(pc) =	sbr.rel @p1 .LBB2_1-.Ltmp1, $4  }
0xa9: {  	[hbm:s15], [sflag:s24] =	dma.local @!p0 [spmem:s19], $0x4F0  }
0xaa: {  	_ =	swait.ge @!p0 [sflag:s25], $0x4F0  }
0xab: {  	[sflag:s25] =	ssyncset.done @!p0 $0x0  }
0xac: {  	[sflag:s25] =	ssyncadd.s32 @!p0 $0xFFFFFB10  }
0xad: {  	_ =	sfence.sel $0x180000  }
0xae: {  	[bflag:$0x0] =	sbarrier.arrive $0xFFFF  }
0xaf: {  	_ =	strace $0x9000004D  }
0xb0: {  	[bflag:$0x2] =	sbarrier.arrive $0xFFFF  }
0xb1: {  	s0 =	rddreg [dreg:$0x5]  }
0xb2: {  	s0 =	sadd.s32 @!p0 $0x100000, s0  }
0xb3: {  	[sflag:s0] =	ssyncadd.tile.s32 @!p0 $0x1;
	_ =	shalt  }
.Lfunc_end2:
_tile_overlayer_lowered:
.L_overlay_start_2:
0xb4: {  	(tag) =	ssettag $0x2  }
0xb5: {  	s0 =	rddreg [dreg:$0x0];
	s2 =	stileid.u32  }
0xb6: {  	s1 =	rddreg [dreg:$0x1];
	p0 =	sne.s32 s2, $0x0  }
0xb7: {  	s3 =	rddreg [dreg:$0x2];
	[bflag:$0x3] =	sbarrier.arrive $0xFFFF;
	s2 =	simm.s32 @!p0 $0x1C01  }
0xb8: {  	[timem:s3], [sflag:s2] =	dma.local @!p0 [hbm:s0], s1  }
0xb9: {  	s0 =	simm.s32 @!p0 $0x1  }
0xba: {  	_ =	swait.ge @!p0 [sflag:s0], s1  }
0xbb: {  	s1 =	ssub.s32 @!p0 $0x0, s1;
	[sflag:s0] =	ssyncset.done @!p0 $0x0  }
0xbc: {  	[sflag:s0] =	ssyncadd.s32 @!p0 s1  }
0xbd: {  	[bflag:$0x3] =	sbarrier.arrive $0xFFFF  }
0xbe: {  	_ =	shalt  }

</sc_bundles>
